<compile_context>
chip_gen: v7x
topology: tpu7x:2x2x1
jax: 0.10.2.dev20260603
libtpu: 0.0.44.dev20260713+nightly
codegen_flags: <defaults>
</compile_context>

<pallas_src>
import functools

import jax
import jax.numpy as jnp
from jax import lax
from jax.experimental import pallas as pl
from jax.experimental.pallas import tpu as pltpu, tpu_sc as plsc

N = 2048
D = 768
F = 768
E = 64
K = 2
C = 80
NSLOT = E * C
NPAIR = N * K
NC, NS, L = 2, 16, 16
NW = NC * NS
PAIRS_PER_W = NPAIR // NW
TOK_PER_W = N // NW
EPB = 1


def _router_body(x_ref, gw_ref, gb_ref, sl_ref, wt_ref, dst_ref):
    x = x_ref[...]
    logits = jnp.dot(x, gw_ref[...], preferred_element_type=jnp.float32)
    logits = logits + gb_ref[...]
    m = jnp.max(logits, axis=1, keepdims=True)
    p = jnp.exp(logits - m)
    probs = p / jnp.sum(p, axis=1, keepdims=True)

    li = lax.broadcasted_iota(jnp.int32, (N, E), 1)
    m1 = jnp.max(probs, axis=1, keepdims=True)
    i1 = jnp.min(jnp.where(probs == m1, li, E), axis=1, keepdims=True)
    oh1 = (li == i1)
    probs2 = jnp.where(oh1, -1.0, probs)
    m2 = jnp.max(probs2, axis=1, keepdims=True)
    i2 = jnp.min(jnp.where(probs2 == m2, li, E), axis=1, keepdims=True)
    oh2 = (li == i2)

    den = m1 + m2 + 1e-9
    w1 = m1 / den
    w2 = m2 / den

    oh1f = oh1.astype(jnp.float32)
    oh2f = oh2.astype(jnp.float32)
    s = oh1f + oh2f
    cb = 256
    r = lax.broadcasted_iota(jnp.int32, (cb, cb), 0)
    c = lax.broadcasted_iota(jnp.int32, (cb, cb), 1)
    tri = (r > c).astype(jnp.float32)
    chunks = []
    carry = jnp.zeros((1, E), jnp.float32)
    for i in range(N // cb):
        sb = s[i * cb:(i + 1) * cb, :]
        chunks.append(jnp.dot(tri, sb, preferred_element_type=jnp.float32)
                      + carry)
        carry = carry + jnp.sum(sb, axis=0, keepdims=True)
    excl = jnp.concatenate(chunks, axis=0)
    pos1 = jnp.sum(excl * oh1f, axis=1, keepdims=True).astype(jnp.int32)
    pos2 = jnp.sum(excl * oh2f, axis=1, keepdims=True).astype(jnp.int32)

    v1 = pos1 < C
    v2 = pos2 < C
    slot1 = i1 * C + pos1
    slot2 = i2 * C + pos2
    fb = jnp.broadcast_to(i1[0:1, :] * C, (N, 1))
    n_iota = lax.broadcasted_iota(jnp.int32, (N, 1), 0)
    sl_ref[...] = jnp.concatenate(
        [jnp.where(v1, slot1, fb), jnp.where(v2, slot2, fb)], axis=1)
    wt_ref[...] = jnp.concatenate(
        [jnp.where(v1, w1, 0.0), jnp.where(v2, w2, 0.0)], axis=1)
    dst_ref[...] = jnp.concatenate(
        [jnp.where(v1, slot1, NSLOT + 2 * n_iota),
         jnp.where(v2, slot2, NSLOT + 2 * n_iota + 1)], axis=1)


def _router(x2d, gate_w, gate_b):
    return pl.pallas_call(
        _router_body,
        out_shape=[
            jax.ShapeDtypeStruct((N, K), jnp.int32),
            jax.ShapeDtypeStruct((N, K), jnp.float32),
            jax.ShapeDtypeStruct((N, K), jnp.int32),
        ],
    )(x2d, gate_w, gate_b.reshape(1, E))


def _dispatch_body(x_hbm, dst0_hbm, dst1_hbm, out_hbm, dst0_v, dst1_v,
                   rows_v, sem_l, sem_s0, sem_s1):
    wid = lax.axis_index("s") * NC + lax.axis_index("c")
    base = wid * TOK_PER_W
    pltpu.sync_copy(dst0_hbm.at[wid], dst0_v)
    pltpu.sync_copy(dst1_hbm.at[wid], dst1_v)
    pltpu.async_copy(x_hbm.at[pl.ds(base, TOK_PER_W)], rows_v, sem_l).wait()
    cp0 = pltpu.async_copy(rows_v, out_hbm.at[dst0_v], sem_s0)
    cp1 = pltpu.async_copy(rows_v, out_hbm.at[dst1_v], sem_s1)
    cp0.wait()
    cp1.wait()


def _dispatch(x2d, dst0, dst1):
    k = functools.partial(
        pl.kernel,
        out_type=jax.ShapeDtypeStruct((NSLOT + NPAIR, D), jnp.float32),
        mesh=plsc.VectorSubcoreMesh(core_axis_name="c", subcore_axis_name="s",
                                    num_cores=NC, num_subcores=NS),
        scratch_types=[
            pltpu.VMEM((TOK_PER_W,), jnp.int32),
            pltpu.VMEM((TOK_PER_W,), jnp.int32),
            pltpu.VMEM((TOK_PER_W, D), jnp.float32),
            pltpu.SemaphoreType.DMA,
            pltpu.SemaphoreType.DMA,
            pltpu.SemaphoreType.DMA,
        ],
    )(_dispatch_body)
    return k(x2d, dst0, dst1)


def _expert_body(xe_ref, wg_ref, bg_ref, wu_ref, bu_ref, wd_ref, bd_ref, y_ref):
    xe = xe_ref[...]
    g = jnp.dot(xe, wg_ref[0], preferred_element_type=jnp.float32) + bg_ref[0]
    u = jnp.dot(xe, wu_ref[0], preferred_element_type=jnp.float32) + bu_ref[0]
    h = (g * jax.nn.sigmoid(g)) * u
    y_ref[...] = jnp.dot(h, wd_ref[0], preferred_element_type=jnp.float32) + bd_ref[0]


def _experts(xdisp, exp_wg, exp_bg, exp_wu, exp_bu, exp_wd, exp_bd):
    return pl.pallas_call(
        _expert_body,
        grid=(E // EPB,),
        in_specs=[
            pl.BlockSpec((EPB * C, D), lambda e: (e, 0)),
            pl.BlockSpec((EPB, D, F), lambda e: (e, 0, 0)),
            pl.BlockSpec((EPB, 1, F), lambda e: (e, 0, 0)),
            pl.BlockSpec((EPB, D, F), lambda e: (e, 0, 0)),
            pl.BlockSpec((EPB, 1, F), lambda e: (e, 0, 0)),
            pl.BlockSpec((EPB, F, D), lambda e: (e, 0, 0)),
            pl.BlockSpec((EPB, 1, D), lambda e: (e, 0, 0)),
        ],
        out_specs=pl.BlockSpec((EPB * C, D), lambda e: (e, 0)),
        out_shape=jax.ShapeDtypeStruct((NSLOT, D), jnp.float32),
    )(xdisp, exp_wg, exp_bg.reshape(E, 1, F), exp_wu, exp_bu.reshape(E, 1, F),
      exp_wd, exp_bd.reshape(E, 1, D))


HC = TOK_PER_W // 2


def _gather2_body(y_hbm, sl0_hbm, sl1_hbm, y0_out, y1_out,
                  sl0_v, sl1_v, y0a, y1a, y0b, y1b,
                  semg0, semg1, sems0, sems1):
    wid = lax.axis_index("s") * NC + lax.axis_index("c")
    base = wid * TOK_PER_W
    pltpu.sync_copy(sl0_hbm.at[wid], sl0_v)
    pltpu.sync_copy(sl1_hbm.at[wid], sl1_v)
    g0a = pltpu.async_copy(y_hbm.at[sl0_v.at[pl.ds(0, HC)]], y0a, semg0)
    g0b = pltpu.async_copy(y_hbm.at[sl1_v.at[pl.ds(0, HC)]], y1a, semg1)
    g0a.wait()
    g0b.wait()
    s0a = pltpu.async_copy(y0a, y0_out.at[pl.ds(base, HC)], sems0)
    s0b = pltpu.async_copy(y1a, y1_out.at[pl.ds(base, HC)], sems1)
    g1a = pltpu.async_copy(y_hbm.at[sl0_v.at[pl.ds(HC, HC)]], y0b, semg0)
    g1b = pltpu.async_copy(y_hbm.at[sl1_v.at[pl.ds(HC, HC)]], y1b, semg1)
    g1a.wait()
    g1b.wait()
    s1a = pltpu.async_copy(y0b, y0_out.at[pl.ds(base + HC, HC)], sems0)
    s1b = pltpu.async_copy(y1b, y1_out.at[pl.ds(base + HC, HC)], sems1)
    s0a.wait()
    s0b.wait()
    s1a.wait()
    s1b.wait()


def _gather2(y, sl0, sl1):
    k = functools.partial(
        pl.kernel,
        out_type=[jax.ShapeDtypeStruct((N, D), jnp.float32),
                  jax.ShapeDtypeStruct((N, D), jnp.float32)],
        mesh=plsc.VectorSubcoreMesh(core_axis_name="c", subcore_axis_name="s",
                                    num_cores=NC, num_subcores=NS),
        scratch_types=[
            pltpu.VMEM((TOK_PER_W,), jnp.int32),
            pltpu.VMEM((TOK_PER_W,), jnp.int32),
            pltpu.VMEM((HC, D), jnp.float32),
            pltpu.VMEM((HC, D), jnp.float32),
            pltpu.VMEM((HC, D), jnp.float32),
            pltpu.VMEM((HC, D), jnp.float32),
            pltpu.SemaphoreType.DMA,
            pltpu.SemaphoreType.DMA,
            pltpu.SemaphoreType.DMA,
            pltpu.SemaphoreType.DMA,
        ],
    )(_gather2_body)
    return k(y, sl0, sl1)


def _shared_body(x_ref, wg_ref, bg_ref, wu_ref, bu_ref, wd_ref, bd_ref, o_ref):
    x = x_ref[...]
    xb = x.astype(jnp.bfloat16)
    g = jnp.dot(xb, wg_ref[...].astype(jnp.bfloat16),
                preferred_element_type=jnp.float32) + bg_ref[...]
    u = jnp.dot(xb, wu_ref[...].astype(jnp.bfloat16),
                preferred_element_type=jnp.float32) + bu_ref[...]
    h = (g * jax.nn.sigmoid(g)) * u
    o_ref[...] = (x + jnp.dot(h.astype(jnp.bfloat16),
                              wd_ref[...].astype(jnp.bfloat16),
                              preferred_element_type=jnp.float32)
                  + bd_ref[...])


def _shared(x2d, wg, bg, wu, bu, wd, bd):
    blk = 256
    return pl.pallas_call(
        _shared_body,
        grid=(N // blk,),
        in_specs=[
            pl.BlockSpec((blk, D), lambda i: (i, 0)),
            pl.BlockSpec((D, F), lambda i: (0, 0)),
            pl.BlockSpec((1, F), lambda i: (0, 0)),
            pl.BlockSpec((D, F), lambda i: (0, 0)),
            pl.BlockSpec((1, F), lambda i: (0, 0)),
            pl.BlockSpec((F, D), lambda i: (0, 0)),
            pl.BlockSpec((1, D), lambda i: (0, 0)),
        ],
        out_specs=pl.BlockSpec((blk, D), lambda i: (i, 0)),
        out_shape=jax.ShapeDtypeStruct((N, D), jnp.float32),
    )(x2d, wg, bg.reshape(1, F), wu, bu.reshape(1, F), wd, bd.reshape(1, D))


def _wsum_body(xsh_ref, y0_ref, y1_ref, wt_ref, o_ref):
    wt = wt_ref[...]
    o_ref[...] = (xsh_ref[...]
                  + wt[:, 0:1] * y0_ref[...]
                  + wt[:, 1:2] * y1_ref[...])


def _wsum(xsh, y0, y1, wt):
    blk = 256
    return pl.pallas_call(
        _wsum_body,
        grid=(N // blk,),
        in_specs=[
            pl.BlockSpec((blk, D), lambda i: (i, 0)),
            pl.BlockSpec((blk, D), lambda i: (i, 0)),
            pl.BlockSpec((blk, D), lambda i: (i, 0)),
            pl.BlockSpec((blk, K), lambda i: (i, 0)),
        ],
        out_specs=pl.BlockSpec((blk, D), lambda i: (i, 0)),
        out_shape=jax.ShapeDtypeStruct((N, D), jnp.float32),
    )(xsh, y0, y1, wt)


def kernel(x, gate_w, gate_b, shared_wg, shared_bg, shared_wu, shared_bu,
           shared_wd, shared_bd, exp_wg, exp_bg, exp_wu, exp_bu, exp_wd,
           exp_bd):
    x2d = x.reshape(N, D)
    sl, wt, dst = _router(x2d, gate_w, gate_b)
    xdisp = _dispatch(x2d, dst[:, 0].reshape(NW, TOK_PER_W),
                      dst[:, 1].reshape(NW, TOK_PER_W))
    xsh = _shared(x2d, shared_wg, shared_bg, shared_wu, shared_bu,
                  shared_wd, shared_bd)
    y = _experts(xdisp, exp_wg, exp_bg, exp_wu, exp_bu, exp_wd, exp_bd)
    y0, y1 = _gather2(y, sl[:, 0].reshape(NW, TOK_PER_W),
                      sl[:, 1].reshape(NW, TOK_PER_W))
    out = _wsum(xsh, y0, y1, wt)
    return out.reshape(*x.shape)

# --- scband reference (transcript-rebuilt; emitter-appended) ---
"""Pipeline reference for scband-deepseek-mo-e-27736898797646 (READ-ONLY COPY).

The authoritative reference and input builder live on the scoring server;
editing this copy changes nothing except your own understanding.
"""

import jax, jax.numpy as jnp
import numpy as np

B, S, D = 1, 2048, 768
F = 768
E = 64
K = 2
CAPACITY_FACTOR = 1.25


def setup_inputs(seed: int = 0) -> dict:
    key = jax.random.key(seed)
    ks = jax.random.split(key, 16)
    s = 0.02
    inp = {
        'x': jax.random.normal(ks[0], (B, S, D), dtype=jnp.float32),
        'gate_w': jax.random.normal(ks[1], (D, E), dtype=jnp.float32) * s,
        'gate_b': jnp.zeros((E,), dtype=jnp.float32),
        'shared_wg': jax.random.normal(ks[2], (D, F), dtype=jnp.float32) * s,
        'shared_bg': jnp.zeros((F,), dtype=jnp.float32),
        'shared_wu': jax.random.normal(ks[3], (D, F), dtype=jnp.float32) * s,
        'shared_bu': jnp.zeros((F,), dtype=jnp.float32),
        'shared_wd': jax.random.normal(ks[4], (F, D), dtype=jnp.float32) * s,
        'shared_bd': jnp.zeros((D,), dtype=jnp.float32),
        'exp_wg': jax.random.normal(ks[5], (E, D, F), dtype=jnp.float32) * s,
        'exp_bg': jnp.zeros((E, F), dtype=jnp.float32),
        'exp_wu': jax.random.normal(ks[6], (E, D, F), dtype=jnp.float32) * s,
        'exp_bu': jnp.zeros((E, F), dtype=jnp.float32),
        'exp_wd': jax.random.normal(ks[7], (E, F, D), dtype=jnp.float32) * s,
        'exp_bd': jnp.zeros((E, D), dtype=jnp.float32),
    }
    return inp


def _mlp(x, wg, bg, wu, bu, wd, bd):
    # SwiGLU-style MLP (DeepSeek): down(silu(gate(x)) * up(x))
    return (jax.nn.silu(x @ wg + bg) * (x @ wu + bu)) @ wd + bd


def reference(x, gate_w, gate_b, shared_wg, shared_bg, shared_wu, shared_bu,
              shared_wd, shared_bd, exp_wg, exp_bg, exp_wu, exp_bu, exp_wd, exp_bd):
    Bx, Sx, Dx = x.shape
    N = Bx * Sx
    router_logits = x @ gate_w + gate_b
    router_probs = jax.nn.softmax(router_logits, axis=-1)
    expert_values, expert_indices = jax.lax.top_k(router_probs, k=K)
    expert_values = expert_values / (jnp.sum(expert_values, axis=-1, keepdims=True) + 1e-09)
    x_tokens = x.reshape(N, Dx)
    expert_indices_flat = expert_indices.reshape(N * K)
    expert_values_flat = expert_values.reshape(N * K)
    C = int(np.ceil(CAPACITY_FACTOR * (N * K) / E))
    oh_e = jax.nn.one_hot(expert_indices_flat, E, dtype=x.dtype)
    cumsum_per_expert = jnp.cumsum(oh_e, axis=0)
    positions_flat = (cumsum_per_expert * oh_e).sum(axis=1) - 1
    within_capacity = positions_flat < C
    oh_c = jax.nn.one_hot(jnp.clip(positions_flat, 0, C - 1), C, dtype=x.dtype)
    pair_dispatch = within_capacity.astype(x.dtype)[:, None, None] * oh_e[:, :, None] * oh_c[:, None, :]
    dispatch = pair_dispatch.reshape(N, K, E, C).sum(axis=1)
    expert_inputs = jnp.einsum('nec,nd->ecd', dispatch, x_tokens)
    h = jax.nn.silu(jnp.einsum('ecd,edf->ecf', expert_inputs, exp_wg) + exp_bg[:, None, :]) \
        * (jnp.einsum('ecd,edf->ecf', expert_inputs, exp_wu) + exp_bu[:, None, :])
    expert_outputs = jnp.einsum('ecf,efd->ecd', h, exp_wd) + exp_bd[:, None, :]
    pair_combine = pair_dispatch * expert_values_flat[:, None, None]
    combine = pair_combine.reshape(N, K, E, C).sum(axis=1)
    output_tokens = jnp.einsum('nec,ecd->nd', combine, expert_outputs)
    shared = _mlp(x, shared_wg, shared_bg, shared_wu, shared_bu, shared_wd, shared_bd)
    return x + shared + output_tokens.reshape(Bx, Sx, Dx)

if __name__ == "__main__":
    import jax
    _d = setup_inputs()
    print(jax.jit(kernel)(*tuple(_d.values())))

</pallas_src>

<mosaic_0001>
#map = affine_map<(d0, d1) -> (0, 0)>
module attributes {stable_mosaic.version = 14 : i64} {
  func.func @_gather2_body(%arg0: i32, %arg1: i32, %arg2: memref<5120x768xf32, #tpu.memory_space<hbm>>, %arg3: memref<32x64xi32, #tpu.memory_space<hbm>>, %arg4: memref<32x64xi32, #tpu.memory_space<hbm>>, %arg5: memref<2048x768xf32, #tpu.memory_space<hbm>>, %arg6: memref<2048x768xf32, #tpu.memory_space<hbm>>, %arg7: memref<64xi32, #tpu.memory_space<vmem>>, %arg8: memref<64xi32, #tpu.memory_space<vmem>>, %arg9: memref<32x768xf32, #tpu.memory_space<vmem>>, %arg10: memref<32x768xf32, #tpu.memory_space<vmem>>, %arg11: memref<32x768xf32, #tpu.memory_space<vmem>>, %arg12: memref<32x768xf32, #tpu.memory_space<vmem>>, %arg13: memref<!tpu.dma_semaphore, #tpu.memory_space<semaphore_mem>>, %arg14: memref<!tpu.dma_semaphore, #tpu.memory_space<semaphore_mem>>, %arg15: memref<!tpu.dma_semaphore, #tpu.memory_space<semaphore_mem>>, %arg16: memref<!tpu.dma_semaphore, #tpu.memory_space<semaphore_mem>>) attributes {dimension_semantics = [#tpu.dimension_semantics<core_parallel>, #tpu.dimension_semantics<subcore_parallel>], iteration_bounds = array<i64: 2, 16>, scalar_prefetch = 0 : i64, scratch_operands = 10 : i64, tpu.core_type = #tpu.core_type<sc_vector_subcore>, window_params = [{transform_indices = #map}, {transform_indices = #map}, {transform_indices = #map}, {transform_indices = #map}, {transform_indices = #map}]} {
    %mul3A = arith.constant 2 : i32
    %mul3A_0 = arith.muli %arg1, %mul3A : i32
    %add3A = arith.addi %mul3A_0, %arg0 : i32
    %mul3A_1 = arith.constant 64 : i32
    %mul3A_2 = arith.muli %add3A, %mul3A_1 : i32
    "tpu.region"() ({
      %run_scoped3A = tpu.sem_alloc : memref<!tpu.dma_semaphore, #tpu.memory_space<semaphore_mem>>
      %dma_start3A_77 = arith.constant 0 : i32
      %dma_start3A_78 = tpu.memref_slice %arg3[%add3A, %dma_start3A_77] : memref<32x64xi32, #tpu.memory_space<hbm>> -> memref<1x64xi32, #tpu.memory_space<hbm>>
      %dma_start3A_79 = tpu.memref_squeeze %dma_start3A_78 : memref<1x64xi32, #tpu.memory_space<hbm>> -> memref<64xi32, #tpu.memory_space<hbm>>
      %dma_start3A_80 = arith.constant 0 : i32
      %dma_start3A_81 = tpu.memref_slice %arg3[%add3A, %dma_start3A_80] : memref<32x64xi32, #tpu.memory_space<hbm>> -> memref<1x64xi32, #tpu.memory_space<hbm>>
      %dma_start3A_82 = tpu.memref_squeeze %dma_start3A_81 : memref<1x64xi32, #tpu.memory_space<hbm>> -> memref<64xi32, #tpu.memory_space<hbm>>
      tpu.enqueue_dma source(%dma_start3A_82 : memref<64xi32, #tpu.memory_space<hbm>>) target(%arg7 : memref<64xi32, #tpu.memory_space<vmem>>) target_semaphore(%run_scoped3A : memref<!tpu.dma_semaphore, #tpu.memory_space<semaphore_mem>>)
      %dma_wait3A_83 = arith.constant 0 : i32
      %dma_wait3A_84 = tpu.memref_slice %arg3[%add3A, %dma_wait3A_83] : memref<32x64xi32, #tpu.memory_space<hbm>> -> memref<1x64xi32, #tpu.memory_space<hbm>>
      %dma_wait3A_85 = tpu.memref_squeeze %dma_wait3A_84 : memref<1x64xi32, #tpu.memory_space<hbm>> -> memref<64xi32, #tpu.memory_space<hbm>>
      %dma_wait3A_86 = arith.constant 0 : i32
      %dma_wait3A_87 = tpu.memref_slice %arg3[%add3A, %dma_wait3A_86] : memref<32x64xi32, #tpu.memory_space<hbm>> -> memref<1x64xi32, #tpu.memory_space<hbm>>
      %dma_wait3A_88 = tpu.memref_squeeze %dma_wait3A_87 : memref<1x64xi32, #tpu.memory_space<hbm>> -> memref<64xi32, #tpu.memory_space<hbm>>
      tpu.wait_dma2 semaphore(%run_scoped3A : memref<!tpu.dma_semaphore, #tpu.memory_space<semaphore_mem>>) src(%dma_wait3A_88 : memref<64xi32, #tpu.memory_space<hbm>>) dst(%arg7 : memref<64xi32, #tpu.memory_space<vmem>>)
      tpu.yield
    }) : () -> ()
    "tpu.region"() ({
      %run_scoped3A = tpu.sem_alloc : memref<!tpu.dma_semaphore, #tpu.memory_space<semaphore_mem>>
      %dma_start3A_77 = arith.constant 0 : i32
      %dma_start3A_78 = tpu.memref_slice %arg4[%add3A, %dma_start3A_77] : memref<32x64xi32, #tpu.memory_space<hbm>> -> memref<1x64xi32, #tpu.memory_space<hbm>>
      %dma_start3A_79 = tpu.memref_squeeze %dma_start3A_78 : memref<1x64xi32, #tpu.memory_space<hbm>> -> memref<64xi32, #tpu.memory_space<hbm>>
      %dma_start3A_80 = arith.constant 0 : i32
      %dma_start3A_81 = tpu.memref_slice %arg4[%add3A, %dma_start3A_80] : memref<32x64xi32, #tpu.memory_space<hbm>> -> memref<1x64xi32, #tpu.memory_space<hbm>>
      %dma_start3A_82 = tpu.memref_squeeze %dma_start3A_81 : memref<1x64xi32, #tpu.memory_space<hbm>> -> memref<64xi32, #tpu.memory_space<hbm>>
      tpu.enqueue_dma source(%dma_start3A_82 : memref<64xi32, #tpu.memory_space<hbm>>) target(%arg8 : memref<64xi32, #tpu.memory_space<vmem>>) target_semaphore(%run_scoped3A : memref<!tpu.dma_semaphore, #tpu.memory_space<semaphore_mem>>)
      %dma_wait3A_83 = arith.constant 0 : i32
      %dma_wait3A_84 = tpu.memref_slice %arg4[%add3A, %dma_wait3A_83] : memref<32x64xi32, #tpu.memory_space<hbm>> -> memref<1x64xi32, #tpu.memory_space<hbm>>
      %dma_wait3A_85 = tpu.memref_squeeze %dma_wait3A_84 : memref<1x64xi32, #tpu.memory_space<hbm>> -> memref<64xi32, #tpu.memory_space<hbm>>
      %dma_wait3A_86 = arith.constant 0 : i32
      %dma_wait3A_87 = tpu.memref_slice %arg4[%add3A, %dma_wait3A_86] : memref<32x64xi32, #tpu.memory_space<hbm>> -> memref<1x64xi32, #tpu.memory_space<hbm>>
      %dma_wait3A_88 = tpu.memref_squeeze %dma_wait3A_87 : memref<1x64xi32, #tpu.memory_space<hbm>> -> memref<64xi32, #tpu.memory_space<hbm>>
      tpu.wait_dma2 semaphore(%run_scoped3A : memref<!tpu.dma_semaphore, #tpu.memory_space<semaphore_mem>>) src(%dma_wait3A_88 : memref<64xi32, #tpu.memory_space<hbm>>) dst(%arg8 : memref<64xi32, #tpu.memory_space<vmem>>)
      tpu.yield
    }) : () -> ()
    %dma_start3A = arith.constant 0 : i32
    %dma_start3A_3 = tpu.memref_slice %arg7[%dma_start3A] : memref<64xi32, #tpu.memory_space<vmem>> -> memref<32xi32, #tpu.memory_space<vmem>>
    %dma_start3A_4 = arith.constant 0 : i32
    %dma_start3A_5 = arith.constant 0 : i32
    %dma_start3A_6 = tpu.memref_slice %arg2[%dma_start3A_4, %dma_start3A_5] : memref<5120x768xf32, #tpu.memory_space<hbm>> -> memref<5120x768xf32, #tpu.memory_space<hbm>>
    tpu.enqueue_indirect_dma source(%dma_start3A_6 : memref<5120x768xf32, #tpu.memory_space<hbm>>) target(%arg9 : memref<32x768xf32, #tpu.memory_space<vmem>>) offsets(%dma_start3A_3 : memref<32xi32, #tpu.memory_space<vmem>>) semaphore(%arg13 : memref<!tpu.dma_semaphore, #tpu.memory_space<semaphore_mem>>)
    %dma_start3A_7 = arith.constant 0 : i32
    %dma_start3A_8 = tpu.memref_slice %arg8[%dma_start3A_7] : memref<64xi32, #tpu.memory_space<vmem>> -> memref<32xi32, #tpu.memory_space<vmem>>
    %dma_start3A_9 = arith.constant 0 : i32
    %dma_start3A_10 = arith.constant 0 : i32
    %dma_start3A_11 = tpu.memref_slice %arg2[%dma_start3A_9, %dma_start3A_10] : memref<5120x768xf32, #tpu.memory_space<hbm>> -> memref<5120x768xf32, #tpu.memory_space<hbm>>
    tpu.enqueue_indirect_dma source(%dma_start3A_11 : memref<5120x768xf32, #tpu.memory_space<hbm>>) target(%arg10 : memref<32x768xf32, #tpu.memory_space<vmem>>) offsets(%dma_start3A_8 : memref<32xi32, #tpu.memory_space<vmem>>) semaphore(%arg14 : memref<!tpu.dma_semaphore, #tpu.memory_space<semaphore_mem>>)
    %dma_wait3A = arith.constant 0 : i32
    %dma_wait3A_12 = tpu.memref_slice %arg7[%dma_wait3A] : memref<64xi32, #tpu.memory_space<vmem>> -> memref<32xi32, #tpu.memory_space<vmem>>
    %dma_wait3A_13 = arith.constant 0 : i32
    %dma_wait3A_14 = arith.constant 0 : i32
    %dma_wait3A_15 = tpu.memref_slice %arg2[%dma_wait3A_13, %dma_wait3A_14] : memref<5120x768xf32, #tpu.memory_space<hbm>> -> memref<5120x768xf32, #tpu.memory_space<hbm>>
    tpu.wait_indirect_dma semaphore(%arg13 : memref<!tpu.dma_semaphore, #tpu.memory_space<semaphore_mem>>) src(%dma_wait3A_15 : memref<5120x768xf32, #tpu.memory_space<hbm>>) dst(%arg9 : memref<32x768xf32, #tpu.memory_space<vmem>>)
    %dma_wait3A_16 = arith.constant 0 : i32
    %dma_wait3A_17 = tpu.memref_slice %arg8[%dma_wait3A_16] : memref<64xi32, #tpu.memory_space<vmem>> -> memref<32xi32, #tpu.memory_space<vmem>>
    %dma_wait3A_18 = arith.constant 0 : i32
    %dma_wait3A_19 = arith.constant 0 : i32
    %dma_wait3A_20 = tpu.memref_slice %arg2[%dma_wait3A_18, %dma_wait3A_19] : memref<5120x768xf32, #tpu.memory_space<hbm>> -> memref<5120x768xf32, #tpu.memory_space<hbm>>
    tpu.wait_indirect_dma semaphore(%arg14 : memref<!tpu.dma_semaphore, #tpu.memory_space<semaphore_mem>>) src(%dma_wait3A_20 : memref<5120x768xf32, #tpu.memory_space<hbm>>) dst(%arg10 : memref<32x768xf32, #tpu.memory_space<vmem>>)
    %dma_start3A_21 = arith.constant 0 : i32
    %dma_start3A_22 = tpu.memref_slice %arg5[%mul3A_2, %dma_start3A_21] : memref<2048x768xf32, #tpu.memory_space<hbm>> -> memref<32x768xf32, #tpu.memory_space<hbm>>
    %dma_start3A_23 = arith.constant 0 : i32
    %dma_start3A_24 = tpu.memref_slice %arg5[%mul3A_2, %dma_start3A_23] : memref<2048x768xf32, #tpu.memory_space<hbm>> -> memref<32x768xf32, #tpu.memory_space<hbm>>
    tpu.enqueue_dma source(%arg9 : memref<32x768xf32, #tpu.memory_space<vmem>>) target(%dma_start3A_24 : memref<32x768xf32, #tpu.memory_space<hbm>>) target_semaphore(%arg15 : memref<!tpu.dma_semaphore, #tpu.memory_space<semaphore_mem>>)
    %dma_start3A_25 = arith.constant 0 : i32
    %dma_start3A_26 = tpu.memref_slice %arg6[%mul3A_2, %dma_start3A_25] : memref<2048x768xf32, #tpu.memory_space<hbm>> -> memref<32x768xf32, #tpu.memory_space<hbm>>
    %dma_start3A_27 = arith.constant 0 : i32
    %dma_start3A_28 = tpu.memref_slice %arg6[%mul3A_2, %dma_start3A_27] : memref<2048x768xf32, #tpu.memory_space<hbm>> -> memref<32x768xf32, #tpu.memory_space<hbm>>
    tpu.enqueue_dma source(%arg10 : memref<32x768xf32, #tpu.memory_space<vmem>>) target(%dma_start3A_28 : memref<32x768xf32, #tpu.memory_space<hbm>>) target_semaphore(%arg16 : memref<!tpu.dma_semaphore, #tpu.memory_space<semaphore_mem>>)
    %dma_start3A_29 = arith.constant 32 : i32
    %dma_start3A_30 = tpu.memref_slice %arg7[%dma_start3A_29] : memref<64xi32, #tpu.memory_space<vmem>> -> memref<32xi32, #tpu.memory_space<vmem>>
    %dma_start3A_31 = arith.constant 0 : i32
    %dma_start3A_32 = arith.constant 0 : i32
    %dma_start3A_33 = tpu.memref_slice %arg2[%dma_start3A_31, %dma_start3A_32] : memref<5120x768xf32, #tpu.memory_space<hbm>> -> memref<5120x768xf32, #tpu.memory_space<hbm>>
    tpu.enqueue_indirect_dma source(%dma_start3A_33 : memref<5120x768xf32, #tpu.memory_space<hbm>>) target(%arg11 : memref<32x768xf32, #tpu.memory_space<vmem>>) offsets(%dma_start3A_30 : memref<32xi32, #tpu.memory_space<vmem>>) semaphore(%arg13 : memref<!tpu.dma_semaphore, #tpu.memory_space<semaphore_mem>>)
    %dma_start3A_34 = arith.constant 32 : i32
    %dma_start3A_35 = tpu.memref_slice %arg8[%dma_start3A_34] : memref<64xi32, #tpu.memory_space<vmem>> -> memref<32xi32, #tpu.memory_space<vmem>>
    %dma_start3A_36 = arith.constant 0 : i32
    %dma_start3A_37 = arith.constant 0 : i32
    %dma_start3A_38 = tpu.memref_slice %arg2[%dma_start3A_36, %dma_start3A_37] : memref<5120x768xf32, #tpu.memory_space<hbm>> -> memref<5120x768xf32, #tpu.memory_space<hbm>>
    tpu.enqueue_indirect_dma source(%dma_start3A_38 : memref<5120x768xf32, #tpu.memory_space<hbm>>) target(%arg12 : memref<32x768xf32, #tpu.memory_space<vmem>>) offsets(%dma_start3A_35 : memref<32xi32, #tpu.memory_space<vmem>>) semaphore(%arg14 : memref<!tpu.dma_semaphore, #tpu.memory_space<semaphore_mem>>)
    %dma_wait3A_39 = arith.constant 32 : i32
    %dma_wait3A_40 = tpu.memref_slice %arg7[%dma_wait3A_39] : memref<64xi32, #tpu.memory_space<vmem>> -> memref<32xi32, #tpu.memory_space<vmem>>
    %dma_wait3A_41 = arith.constant 0 : i32
    %dma_wait3A_42 = arith.constant 0 : i32
    %dma_wait3A_43 = tpu.memref_slice %arg2[%dma_wait3A_41, %dma_wait3A_42] : memref<5120x768xf32, #tpu.memory_space<hbm>> -> memref<5120x768xf32, #tpu.memory_space<hbm>>
    tpu.wait_indirect_dma semaphore(%arg13 : memref<!tpu.dma_semaphore, #tpu.memory_space<semaphore_mem>>) src(%dma_wait3A_43 : memref<5120x768xf32, #tpu.memory_space<hbm>>) dst(%arg11 : memref<32x768xf32, #tpu.memory_space<vmem>>)
    %dma_wait3A_44 = arith.constant 32 : i32
    %dma_wait3A_45 = tpu.memref_slice %arg8[%dma_wait3A_44] : memref<64xi32, #tpu.memory_space<vmem>> -> memref<32xi32, #tpu.memory_space<vmem>>
    %dma_wait3A_46 = arith.constant 0 : i32
    %dma_wait3A_47 = arith.constant 0 : i32
    %dma_wait3A_48 = tpu.memref_slice %arg2[%dma_wait3A_46, %dma_wait3A_47] : memref<5120x768xf32, #tpu.memory_space<hbm>> -> memref<5120x768xf32, #tpu.memory_space<hbm>>
    tpu.wait_indirect_dma semaphore(%arg14 : memref<!tpu.dma_semaphore, #tpu.memory_space<semaphore_mem>>) src(%dma_wait3A_48 : memref<5120x768xf32, #tpu.memory_space<hbm>>) dst(%arg12 : memref<32x768xf32, #tpu.memory_space<vmem>>)
    %add3A_49 = arith.constant 32 : i32
    %add3A_50 = arith.addi %mul3A_2, %add3A_49 : i32
    %dma_start3A_51 = arith.constant 0 : i32
    %dma_start3A_52 = tpu.memref_slice %arg5[%add3A_50, %dma_start3A_51] : memref<2048x768xf32, #tpu.memory_space<hbm>> -> memref<32x768xf32, #tpu.memory_space<hbm>>
    %dma_start3A_53 = arith.constant 0 : i32
    %dma_start3A_54 = tpu.memref_slice %arg5[%add3A_50, %dma_start3A_53] : memref<2048x768xf32, #tpu.memory_space<hbm>> -> memref<32x768xf32, #tpu.memory_space<hbm>>
    tpu.enqueue_dma source(%arg11 : memref<32x768xf32, #tpu.memory_space<vmem>>) target(%dma_start3A_54 : memref<32x768xf32, #tpu.memory_space<hbm>>) target_semaphore(%arg15 : memref<!tpu.dma_semaphore, #tpu.memory_space<semaphore_mem>>)
    %add3A_55 = arith.constant 32 : i32
    %add3A_56 = arith.addi %mul3A_2, %add3A_55 : i32
    %dma_start3A_57 = arith.constant 0 : i32
    %dma_start3A_58 = tpu.memref_slice %arg6[%add3A_56, %dma_start3A_57] : memref<2048x768xf32, #tpu.memory_space<hbm>> -> memref<32x768xf32, #tpu.memory_space<hbm>>
    %dma_start3A_59 = arith.constant 0 : i32
    %dma_start3A_60 = tpu.memref_slice %arg6[%add3A_56, %dma_start3A_59] : memref<2048x768xf32, #tpu.memory_space<hbm>> -> memref<32x768xf32, #tpu.memory_space<hbm>>
    tpu.enqueue_dma source(%arg12 : memref<32x768xf32, #tpu.memory_space<vmem>>) target(%dma_start3A_60 : memref<32x768xf32, #tpu.memory_space<hbm>>) target_semaphore(%arg16 : memref<!tpu.dma_semaphore, #tpu.memory_space<semaphore_mem>>)
    %dma_wait3A_61 = arith.constant 0 : i32
    %dma_wait3A_62 = tpu.memref_slice %arg5[%mul3A_2, %dma_wait3A_61] : memref<2048x768xf32, #tpu.memory_space<hbm>> -> memref<32x768xf32, #tpu.memory_space<hbm>>
    %dma_wait3A_63 = arith.constant 0 : i32
    %dma_wait3A_64 = tpu.memref_slice %arg5[%mul3A_2, %dma_wait3A_63] : memref<2048x768xf32, #tpu.memory_space<hbm>> -> memref<32x768xf32, #tpu.memory_space<hbm>>
    tpu.wait_dma2 semaphore(%arg15 : memref<!tpu.dma_semaphore, #tpu.memory_space<semaphore_mem>>) src(%arg9 : memref<32x768xf32, #tpu.memory_space<vmem>>) dst(%dma_wait3A_64 : memref<32x768xf32, #tpu.memory_space<hbm>>)
    %dma_wait3A_65 = arith.constant 0 : i32
    %dma_wait3A_66 = tpu.memref_slice %arg6[%mul3A_2, %dma_wait3A_65] : memref<2048x768xf32, #tpu.memory_space<hbm>> -> memref<32x768xf32, #tpu.memory_space<hbm>>
    %dma_wait3A_67 = arith.constant 0 : i32
    %dma_wait3A_68 = tpu.memref_slice %arg6[%mul3A_2, %dma_wait3A_67] : memref<2048x768xf32, #tpu.memory_space<hbm>> -> memref<32x768xf32, #tpu.memory_space<hbm>>
    tpu.wait_dma2 semaphore(%arg16 : memref<!tpu.dma_semaphore, #tpu.memory_space<semaphore_mem>>) src(%arg10 : memref<32x768xf32, #tpu.memory_space<vmem>>) dst(%dma_wait3A_68 : memref<32x768xf32, #tpu.memory_space<hbm>>)
    %dma_wait3A_69 = arith.constant 0 : i32
    %dma_wait3A_70 = tpu.memref_slice %arg5[%add3A_50, %dma_wait3A_69] : memref<2048x768xf32, #tpu.memory_space<hbm>> -> memref<32x768xf32, #tpu.memory_space<hbm>>
    %dma_wait3A_71 = arith.constant 0 : i32
    %dma_wait3A_72 = tpu.memref_slice %arg5[%add3A_50, %dma_wait3A_71] : memref<2048x768xf32, #tpu.memory_space<hbm>> -> memref<32x768xf32, #tpu.memory_space<hbm>>
    tpu.wait_dma2 semaphore(%arg15 : memref<!tpu.dma_semaphore, #tpu.memory_space<semaphore_mem>>) src(%arg11 : memref<32x768xf32, #tpu.memory_space<vmem>>) dst(%dma_wait3A_72 : memref<32x768xf32, #tpu.memory_space<hbm>>)
    %dma_wait3A_73 = arith.constant 0 : i32
    %dma_wait3A_74 = tpu.memref_slice %arg6[%add3A_56, %dma_wait3A_73] : memref<2048x768xf32, #tpu.memory_space<hbm>> -> memref<32x768xf32, #tpu.memory_space<hbm>>
    %dma_wait3A_75 = arith.constant 0 : i32
    %dma_wait3A_76 = tpu.memref_slice %arg6[%add3A_56, %dma_wait3A_75] : memref<2048x768xf32, #tpu.memory_space<hbm>> -> memref<32x768xf32, #tpu.memory_space<hbm>>
    tpu.wait_dma2 semaphore(%arg16 : memref<!tpu.dma_semaphore, #tpu.memory_space<semaphore_mem>>) src(%arg12 : memref<32x768xf32, #tpu.memory_space<vmem>>) dst(%dma_wait3A_76 : memref<32x768xf32, #tpu.memory_space<hbm>>)
    return
  }
}

#map = affine_map<(d0, d1) -> (0, 0)>
module attributes {stable_mosaic.version = 14 : i64} {
  func.func @_dispatch_body(%arg0: i32, %arg1: i32, %arg2: memref<2048x768xf32, #tpu.memory_space<hbm>>, %arg3: memref<32x64xi32, #tpu.memory_space<hbm>>, %arg4: memref<32x64xi32, #tpu.memory_space<hbm>>, %arg5: memref<9216x768xf32, #tpu.memory_space<hbm>>, %arg6: memref<64xi32, #tpu.memory_space<vmem>>, %arg7: memref<64xi32, #tpu.memory_space<vmem>>, %arg8: memref<64x768xf32, #tpu.memory_space<vmem>>, %arg9: memref<!tpu.dma_semaphore, #tpu.memory_space<semaphore_mem>>, %arg10: memref<!tpu.dma_semaphore, #tpu.memory_space<semaphore_mem>>, %arg11: memref<!tpu.dma_semaphore, #tpu.memory_space<semaphore_mem>>) attributes {dimension_semantics = [#tpu.dimension_semantics<core_parallel>, #tpu.dimension_semantics<subcore_parallel>], iteration_bounds = array<i64: 2, 16>, scalar_prefetch = 0 : i64, scratch_operands = 6 : i64, tpu.core_type = #tpu.core_type<sc_vector_subcore>, window_params = [{transform_indices = #map}, {transform_indices = #map}, {transform_indices = #map}, {transform_indices = #map}]} {
    %mul3A = arith.constant 2 : i32
    %mul3A_0 = arith.muli %arg1, %mul3A : i32
    %add3A = arith.addi %mul3A_0, %arg0 : i32
    %mul3A_1 = arith.constant 64 : i32
    %mul3A_2 = arith.muli %add3A, %mul3A_1 : i32
    "tpu.region"() ({
      %run_scoped3A = tpu.sem_alloc : memref<!tpu.dma_semaphore, #tpu.memory_space<semaphore_mem>>
      %dma_start3A_21 = arith.constant 0 : i32
      %dma_start3A_22 = tpu.memref_slice %arg3[%add3A, %dma_start3A_21] : memref<32x64xi32, #tpu.memory_space<hbm>> -> memref<1x64xi32, #tpu.memory_space<hbm>>
      %dma_start3A_23 = tpu.memref_squeeze %dma_start3A_22 : memref<1x64xi32, #tpu.memory_space<hbm>> -> memref<64xi32, #tpu.memory_space<hbm>>
      %dma_start3A_24 = arith.constant 0 : i32
      %dma_start3A_25 = tpu.memref_slice %arg3[%add3A, %dma_start3A_24] : memref<32x64xi32, #tpu.memory_space<hbm>> -> memref<1x64xi32, #tpu.memory_space<hbm>>
      %dma_start3A_26 = tpu.memref_squeeze %dma_start3A_25 : memref<1x64xi32, #tpu.memory_space<hbm>> -> memref<64xi32, #tpu.memory_space<hbm>>
      tpu.enqueue_dma source(%dma_start3A_26 : memref<64xi32, #tpu.memory_space<hbm>>) target(%arg6 : memref<64xi32, #tpu.memory_space<vmem>>) target_semaphore(%run_scoped3A : memref<!tpu.dma_semaphore, #tpu.memory_space<semaphore_mem>>)
      %dma_wait3A_27 = arith.constant 0 : i32
      %dma_wait3A_28 = tpu.memref_slice %arg3[%add3A, %dma_wait3A_27] : memref<32x64xi32, #tpu.memory_space<hbm>> -> memref<1x64xi32, #tpu.memory_space<hbm>>
      %dma_wait3A_29 = tpu.memref_squeeze %dma_wait3A_28 : memref<1x64xi32, #tpu.memory_space<hbm>> -> memref<64xi32, #tpu.memory_space<hbm>>
      %dma_wait3A_30 = arith.constant 0 : i32
      %dma_wait3A_31 = tpu.memref_slice %arg3[%add3A, %dma_wait3A_30] : memref<32x64xi32, #tpu.memory_space<hbm>> -> memref<1x64xi32, #tpu.memory_space<hbm>>
      %dma_wait3A_32 = tpu.memref_squeeze %dma_wait3A_31 : memref<1x64xi32, #tpu.memory_space<hbm>> -> memref<64xi32, #tpu.memory_space<hbm>>
      tpu.wait_dma2 semaphore(%run_scoped3A : memref<!tpu.dma_semaphore, #tpu.memory_space<semaphore_mem>>) src(%dma_wait3A_32 : memref<64xi32, #tpu.memory_space<hbm>>) dst(%arg6 : memref<64xi32, #tpu.memory_space<vmem>>)
      tpu.yield
    }) : () -> ()
    "tpu.region"() ({
      %run_scoped3A = tpu.sem_alloc : memref<!tpu.dma_semaphore, #tpu.memory_space<semaphore_mem>>
      %dma_start3A_21 = arith.constant 0 : i32
      %dma_start3A_22 = tpu.memref_slice %arg4[%add3A, %dma_start3A_21] : memref<32x64xi32, #tpu.memory_space<hbm>> -> memref<1x64xi32, #tpu.memory_space<hbm>>
      %dma_start3A_23 = tpu.memref_squeeze %dma_start3A_22 : memref<1x64xi32, #tpu.memory_space<hbm>> -> memref<64xi32, #tpu.memory_space<hbm>>
      %dma_start3A_24 = arith.constant 0 : i32
      %dma_start3A_25 = tpu.memref_slice %arg4[%add3A, %dma_start3A_24] : memref<32x64xi32, #tpu.memory_space<hbm>> -> memref<1x64xi32, #tpu.memory_space<hbm>>
      %dma_start3A_26 = tpu.memref_squeeze %dma_start3A_25 : memref<1x64xi32, #tpu.memory_space<hbm>> -> memref<64xi32, #tpu.memory_space<hbm>>
      tpu.enqueue_dma source(%dma_start3A_26 : memref<64xi32, #tpu.memory_space<hbm>>) target(%arg7 : memref<64xi32, #tpu.memory_space<vmem>>) target_semaphore(%run_scoped3A : memref<!tpu.dma_semaphore, #tpu.memory_space<semaphore_mem>>)
      %dma_wait3A_27 = arith.constant 0 : i32
      %dma_wait3A_28 = tpu.memref_slice %arg4[%add3A, %dma_wait3A_27] : memref<32x64xi32, #tpu.memory_space<hbm>> -> memref<1x64xi32, #tpu.memory_space<hbm>>
      %dma_wait3A_29 = tpu.memref_squeeze %dma_wait3A_28 : memref<1x64xi32, #tpu.memory_space<hbm>> -> memref<64xi32, #tpu.memory_space<hbm>>
      %dma_wait3A_30 = arith.constant 0 : i32
      %dma_wait3A_31 = tpu.memref_slice %arg4[%add3A, %dma_wait3A_30] : memref<32x64xi32, #tpu.memory_space<hbm>> -> memref<1x64xi32, #tpu.memory_space<hbm>>
      %dma_wait3A_32 = tpu.memref_squeeze %dma_wait3A_31 : memref<1x64xi32, #tpu.memory_space<hbm>> -> memref<64xi32, #tpu.memory_space<hbm>>
      tpu.wait_dma2 semaphore(%run_scoped3A : memref<!tpu.dma_semaphore, #tpu.memory_space<semaphore_mem>>) src(%dma_wait3A_32 : memref<64xi32, #tpu.memory_space<hbm>>) dst(%arg7 : memref<64xi32, #tpu.memory_space<vmem>>)
      tpu.yield
    }) : () -> ()
    %dma_start3A = arith.constant 0 : i32
    %dma_start3A_3 = tpu.memref_slice %arg2[%mul3A_2, %dma_start3A] : memref<2048x768xf32, #tpu.memory_space<hbm>> -> memref<64x768xf32, #tpu.memory_space<hbm>>
    %dma_start3A_4 = arith.constant 0 : i32
    %dma_start3A_5 = tpu.memref_slice %arg2[%mul3A_2, %dma_start3A_4] : memref<2048x768xf32, #tpu.memory_space<hbm>> -> memref<64x768xf32, #tpu.memory_space<hbm>>
    tpu.enqueue_dma source(%dma_start3A_5 : memref<64x768xf32, #tpu.memory_space<hbm>>) target(%arg8 : memref<64x768xf32, #tpu.memory_space<vmem>>) target_semaphore(%arg9 : memref<!tpu.dma_semaphore, #tpu.memory_space<semaphore_mem>>)
    %dma_wait3A = arith.constant 0 : i32
    %dma_wait3A_6 = tpu.memref_slice %arg2[%mul3A_2, %dma_wait3A] : memref<2048x768xf32, #tpu.memory_space<hbm>> -> memref<64x768xf32, #tpu.memory_space<hbm>>
    %dma_wait3A_7 = arith.constant 0 : i32
    %dma_wait3A_8 = tpu.memref_slice %arg2[%mul3A_2, %dma_wait3A_7] : memref<2048x768xf32, #tpu.memory_space<hbm>> -> memref<64x768xf32, #tpu.memory_space<hbm>>
    tpu.wait_dma2 semaphore(%arg9 : memref<!tpu.dma_semaphore, #tpu.memory_space<semaphore_mem>>) src(%dma_wait3A_8 : memref<64x768xf32, #tpu.memory_space<hbm>>) dst(%arg8 : memref<64x768xf32, #tpu.memory_space<vmem>>)
    %dma_start3A_9 = arith.constant 0 : i32
    %dma_start3A_10 = arith.constant 0 : i32
    %dma_start3A_11 = tpu.memref_slice %arg5[%dma_start3A_9, %dma_start3A_10] : memref<9216x768xf32, #tpu.memory_space<hbm>> -> memref<9216x768xf32, #tpu.memory_space<hbm>>
    tpu.enqueue_indirect_dma source(%arg8 : memref<64x768xf32, #tpu.memory_space<vmem>>) target(%dma_start3A_11 : memref<9216x768xf32, #tpu.memory_space<hbm>>) offsets(%arg6 : memref<64xi32, #tpu.memory_space<vmem>>) semaphore(%arg10 : memref<!tpu.dma_semaphore, #tpu.memory_space<semaphore_mem>>)
    %dma_start3A_12 = arith.constant 0 : i32
    %dma_start3A_13 = arith.constant 0 : i32
    %dma_start3A_14 = tpu.memref_slice %arg5[%dma_start3A_12, %dma_start3A_13] : memref<9216x768xf32, #tpu.memory_space<hbm>> -> memref<9216x768xf32, #tpu.memory_space<hbm>>
    tpu.enqueue_indirect_dma source(%arg8 : memref<64x768xf32, #tpu.memory_space<vmem>>) target(%dma_start3A_14 : memref<9216x768xf32, #tpu.memory_space<hbm>>) offsets(%arg7 : memref<64xi32, #tpu.memory_space<vmem>>) semaphore(%arg11 : memref<!tpu.dma_semaphore, #tpu.memory_space<semaphore_mem>>)
    %dma_wait3A_15 = arith.constant 0 : i32
    %dma_wait3A_16 = arith.constant 0 : i32
    %dma_wait3A_17 = tpu.memref_slice %arg5[%dma_wait3A_15, %dma_wait3A_16] : memref<9216x768xf32, #tpu.memory_space<hbm>> -> memref<9216x768xf32, #tpu.memory_space<hbm>>
    tpu.wait_indirect_dma semaphore(%arg10 : memref<!tpu.dma_semaphore, #tpu.memory_space<semaphore_mem>>) src(%arg8 : memref<64x768xf32, #tpu.memory_space<vmem>>) dst(%dma_wait3A_17 : memref<9216x768xf32, #tpu.memory_space<hbm>>)
    %dma_wait3A_18 = arith.constant 0 : i32
    %dma_wait3A_19 = arith.constant 0 : i32
    %dma_wait3A_20 = tpu.memref_slice %arg5[%dma_wait3A_18, %dma_wait3A_19] : memref<9216x768xf32, #tpu.memory_space<hbm>> -> memref<9216x768xf32, #tpu.memory_space<hbm>>
    tpu.wait_indirect_dma semaphore(%arg11 : memref<!tpu.dma_semaphore, #tpu.memory_space<semaphore_mem>>) src(%arg8 : memref<64x768xf32, #tpu.memory_space<vmem>>) dst(%dma_wait3A_20 : memref<9216x768xf32, #tpu.memory_space<hbm>>)
    return
  }
}

module attributes {stable_mosaic.version = 14 : i64} {
  func.func @_router_body(%arg0: memref<2048x768xf32, #tpu.memory_space<vmem>>, %arg1: memref<768x64xf32, #tpu.memory_space<vmem>>, %arg2: memref<1x64xf32, #tpu.memory_space<vmem>>, %arg3: memref<2048x2xi32, #tpu.memory_space<vmem>>, %arg4: memref<2048x2xf32, #tpu.memory_space<vmem>>, %arg5: memref<2048x2xi32, #tpu.memory_space<vmem>>) attributes {dimension_semantics = [], scalar_prefetch = 0 : i64, scratch_operands = 0 : i64, tpu.core_type = #tpu.core_type<tc>} {
    %get3A = arith.constant 0 : index
    %get3A_0 = arith.constant 0 : index
    %get3A_1 = vector.load %arg0[%get3A, %get3A_0] : memref<2048x768xf32, #tpu.memory_space<vmem>>, vector<2048x768xf32>
    %get3A_2 = arith.constant 0 : index
    %get3A_3 = arith.constant 0 : index
    %get3A_4 = vector.load %arg1[%get3A_2, %get3A_3] : memref<768x64xf32, #tpu.memory_space<vmem>>, vector<768x64xf32>
    %dot_general3A = arith.constant dense<0.000000e+00> : vector<2048x64xf32>
    %dot_general3A_5 = tpu.matmul %get3A_1, %get3A_4, %dot_general3A {dimension_numbers = #tpu.dot_dimension_numbers<[1], [0], [0], [1], [0, 0, 1, 1], [], []>, transpose_lhs_hint = false} : vector<2048x768xf32>, vector<768x64xf32>, vector<2048x64xf32> -> vector<2048x64xf32>
    %get3A_6 = arith.constant 0 : index
    %get3A_7 = arith.constant 0 : index
    %get3A_8 = vector.load %arg2[%get3A_6, %get3A_7] : memref<1x64xf32, #tpu.memory_space<vmem>>, vector<1x64xf32>
    %add3A = vector.broadcast %get3A_8 : vector<1x64xf32> to vector<2048x64xf32>
    %add3A_9 = arith.addf %dot_general3A_5, %add3A : vector<2048x64xf32>
    %reduce_max3A = arith.constant dense<0xFF800000> : vector<2048xf32>
    %reduce_max3A_10 = vector.multi_reduction <maximumf>, %add3A_9, %reduce_max3A [1] : vector<2048x64xf32> to vector<2048xf32>
    %broadcast_in_dim3A = vector.shape_cast %reduce_max3A_10 : vector<2048xf32> to vector<2048x1xf32>
    %sub3A = vector.broadcast %broadcast_in_dim3A : vector<2048x1xf32> to vector<2048x64xf32>
    %sub3A_11 = arith.subf %add3A_9, %sub3A : vector<2048x64xf32>
    %exp3A = math.exp %sub3A_11 : vector<2048x64xf32>
    %reduce_sum3A = arith.constant dense<0.000000e+00> : vector<2048xf32>
    %reduce_sum3A_12 = vector.multi_reduction <add>, %exp3A, %reduce_sum3A [1] : vector<2048x64xf32> to vector<2048xf32>
    %broadcast_in_dim3A_13 = vector.shape_cast %reduce_sum3A_12 : vector<2048xf32> to vector<2048x1xf32>
    %div3A = vector.broadcast %broadcast_in_dim3A_13 : vector<2048x1xf32> to vector<2048x64xf32>
    %div3A_14 = arith.divf %exp3A, %div3A : vector<2048x64xf32>
    %iota3A = tpu.iota {dimensions = array<i32: 1>} : vector<2048x64xi32>
    %reduce_max3A_15 = arith.constant dense<0xFF800000> : vector<2048xf32>
    %reduce_max3A_16 = vector.multi_reduction <maximumf>, %div3A_14, %reduce_max3A_15 [1] : vector<2048x64xf32> to vector<2048xf32>
    %broadcast_in_dim3A_17 = vector.shape_cast %reduce_max3A_16 : vector<2048xf32> to vector<2048x1xf32>
    %eq3A = vector.broadcast %broadcast_in_dim3A_17 : vector<2048x1xf32> to vector<2048x64xf32>
    %eq3A_18 = arith.cmpf oeq, %div3A_14, %eq3A : vector<2048x64xf32>
    %jit3A = arith.constant 64 : i32
    %broadcast_in_dim3A_19 = vector.broadcast %jit3A : i32 to vector<2048x64xi32>
    %select_n3A = arith.select %eq3A_18, %iota3A, %broadcast_in_dim3A_19 : vector<2048x64xi1>, vector<2048x64xi32>
    %reduce_min3A = arith.constant dense<2147483647> : vector<2048xi32>
    %reduce_min3A_20 = vector.multi_reduction <minsi>, %select_n3A, %reduce_min3A [1] : vector<2048x64xi32> to vector<2048xi32>
    %broadcast_in_dim3A_21 = vector.shape_cast %reduce_min3A_20 : vector<2048xi32> to vector<2048x1xi32>
    %eq3A_22 = vector.broadcast %broadcast_in_dim3A_21 : vector<2048x1xi32> to vector<2048x64xi32>
    %eq3A_23 = arith.cmpi eq, %iota3A, %eq3A_22 : vector<2048x64xi32>
    %jit3A_24 = arith.constant -1.000000e+00 : f32
    %broadcast_in_dim3A_25 = vector.broadcast %jit3A_24 : f32 to vector<2048x64xf32>
    %select_n3A_26 = arith.select %eq3A_23, %broadcast_in_dim3A_25, %div3A_14 : vector<2048x64xi1>, vector<2048x64xf32>
    %reduce_max3A_27 = arith.constant dense<0xFF800000> : vector<2048xf32>
    %reduce_max3A_28 = vector.multi_reduction <maximumf>, %select_n3A_26, %reduce_max3A_27 [1] : vector<2048x64xf32> to vector<2048xf32>
    %broadcast_in_dim3A_29 = vector.shape_cast %reduce_max3A_28 : vector<2048xf32> to vector<2048x1xf32>
    %eq3A_30 = vector.broadcast %broadcast_in_dim3A_29 : vector<2048x1xf32> to vector<2048x64xf32>
    %eq3A_31 = arith.cmpf oeq, %select_n3A_26, %eq3A_30 : vector<2048x64xf32>
    %jit3A_32 = arith.constant 64 : i32
    %broadcast_in_dim3A_33 = vector.broadcast %jit3A_32 : i32 to vector<2048x64xi32>
    %select_n3A_34 = arith.select %eq3A_31, %iota3A, %broadcast_in_dim3A_33 : vector<2048x64xi1>, vector<2048x64xi32>
    %reduce_min3A_35 = arith.constant dense<2147483647> : vector<2048xi32>
    %reduce_min3A_36 = vector.multi_reduction <minsi>, %select_n3A_34, %reduce_min3A_35 [1] : vector<2048x64xi32> to vector<2048xi32>
    %broadcast_in_dim3A_37 = vector.shape_cast %reduce_min3A_36 : vector<2048xi32> to vector<2048x1xi32>
    %eq3A_38 = vector.broadcast %broadcast_in_dim3A_37 : vector<2048x1xi32> to vector<2048x64xi32>
    %eq3A_39 = arith.cmpi eq, %iota3A, %eq3A_38 : vector<2048x64xi32>
    %add3A_40 = arith.addf %broadcast_in_dim3A_17, %broadcast_in_dim3A_29 : vector<2048x1xf32>
    %add3A_41 = arith.constant 9.99999971E-10 : f32
    %add3A_42 = vector.broadcast %add3A_41 : f32 to vector<2048x1xf32>
    %add3A_43 = arith.addf %add3A_40, %add3A_42 : vector<2048x1xf32>
    %div3A_44 = arith.divf %broadcast_in_dim3A_17, %add3A_43 : vector<2048x1xf32>
    %div3A_45 = arith.divf %broadcast_in_dim3A_29, %add3A_43 : vector<2048x1xf32>
    %convert_element_type3A = arith.extui %eq3A_23 : vector<2048x64xi1> to vector<2048x64xi32>
    %convert_element_type3A_46 = arith.sitofp %convert_element_type3A : vector<2048x64xi32> to vector<2048x64xf32>
    %convert_element_type3A_47 = arith.extui %eq3A_39 : vector<2048x64xi1> to vector<2048x64xi32>
    %convert_element_type3A_48 = arith.sitofp %convert_element_type3A_47 : vector<2048x64xi32> to vector<2048x64xf32>
    %add3A_49 = arith.addf %convert_element_type3A_46, %convert_element_type3A_48 : vector<2048x64xf32>
    %iota3A_50 = tpu.iota {dimensions = array<i32: 0>} : vector<256x256xi32>
    %iota3A_51 = tpu.iota {dimensions = array<i32: 1>} : vector<256x256xi32>
    %gt3A = arith.cmpi sgt, %iota3A_50, %iota3A_51 : vector<256x256xi32>
    %convert_element_type3A_52 = arith.extui %gt3A : vector<256x256xi1> to vector<256x256xi32>
    %convert_element_type3A_53 = arith.sitofp %convert_element_type3A_52 : vector<256x256xi32> to vector<256x256xf32>
    %broadcast_in_dim3A_54 = arith.constant 0.000000e+00 : f32
    %broadcast_in_dim3A_55 = vector.broadcast %broadcast_in_dim3A_54 : f32 to vector<1x64xf32>
    %slice3A = vector.extract_strided_slice %add3A_49 {offsets = [0, 0], sizes = [256, 64], strides = [1, 1]} : vector<2048x64xf32> to vector<256x64xf32>
    %dot_general3A_56 = arith.constant dense<0.000000e+00> : vector<256x64xf32>
    %dot_general3A_57 = tpu.matmul %convert_element_type3A_53, %slice3A, %dot_general3A_56 {dimension_numbers = #tpu.dot_dimension_numbers<[1], [0], [0], [1], [0, 0, 1, 1], [], []>, transpose_lhs_hint = false} : vector<256x256xf32>, vector<256x64xf32>, vector<256x64xf32> -> vector<256x64xf32>
    %add3A_58 = vector.broadcast %broadcast_in_dim3A_55 : vector<1x64xf32> to vector<256x64xf32>
    %add3A_59 = arith.addf %dot_general3A_57, %add3A_58 : vector<256x64xf32>
    %reduce_sum3A_60 = arith.constant dense<0.000000e+00> : vector<64xf32>
    %reduce_sum3A_61 = vector.multi_reduction <add>, %slice3A, %reduce_sum3A_60 [0] : vector<256x64xf32> to vector<64xf32>
    %broadcast_in_dim3A_62 = vector.shape_cast %reduce_sum3A_61 : vector<64xf32> to vector<1x64xf32>
    %add3A_63 = arith.addf %broadcast_in_dim3A_55, %broadcast_in_dim3A_62 : vector<1x64xf32>
    %slice3A_64 = vector.extract_strided_slice %add3A_49 {offsets = [256, 0], sizes = [256, 64], strides = [1, 1]} : vector<2048x64xf32> to vector<256x64xf32>
    %dot_general3A_65 = arith.constant dense<0.000000e+00> : vector<256x64xf32>
    %dot_general3A_66 = tpu.matmul %convert_element_type3A_53, %slice3A_64, %dot_general3A_65 {dimension_numbers = #tpu.dot_dimension_numbers<[1], [0], [0], [1], [0, 0, 1, 1], [], []>, transpose_lhs_hint = false} : vector<256x256xf32>, vector<256x64xf32>, vector<256x64xf32> -> vector<256x64xf32>
    %add3A_67 = vector.broadcast %add3A_63 : vector<1x64xf32> to vector<256x64xf32>
    %add3A_68 = arith.addf %dot_general3A_66, %add3A_67 : vector<256x64xf32>
    %reduce_sum3A_69 = arith.constant dense<0.000000e+00> : vector<64xf32>
    %reduce_sum3A_70 = vector.multi_reduction <add>, %slice3A_64, %reduce_sum3A_69 [0] : vector<256x64xf32> to vector<64xf32>
    %broadcast_in_dim3A_71 = vector.shape_cast %reduce_sum3A_70 : vector<64xf32> to vector<1x64xf32>
    %add3A_72 = arith.addf %add3A_63, %broadcast_in_dim3A_71 : vector<1x64xf32>
    %slice3A_73 = vector.extract_strided_slice %add3A_49 {offsets = [512, 0], sizes = [256, 64], strides = [1, 1]} : vector<2048x64xf32> to vector<256x64xf32>
    %dot_general3A_74 = arith.constant dense<0.000000e+00> : vector<256x64xf32>
    %dot_general3A_75 = tpu.matmul %convert_element_type3A_53, %slice3A_73, %dot_general3A_74 {dimension_numbers = #tpu.dot_dimension_numbers<[1], [0], [0], [1], [0, 0, 1, 1], [], []>, transpose_lhs_hint = false} : vector<256x256xf32>, vector<256x64xf32>, vector<256x64xf32> -> vector<256x64xf32>
    %add3A_76 = vector.broadcast %add3A_72 : vector<1x64xf32> to vector<256x64xf32>
    %add3A_77 = arith.addf %dot_general3A_75, %add3A_76 : vector<256x64xf32>
    %reduce_sum3A_78 = arith.constant dense<0.000000e+00> : vector<64xf32>
    %reduce_sum3A_79 = vector.multi_reduction <add>, %slice3A_73, %reduce_sum3A_78 [0] : vector<256x64xf32> to vector<64xf32>
    %broadcast_in_dim3A_80 = vector.shape_cast %reduce_sum3A_79 : vector<64xf32> to vector<1x64xf32>
    %add3A_81 = arith.addf %add3A_72, %broadcast_in_dim3A_80 : vector<1x64xf32>
    %slice3A_82 = vector.extract_strided_slice %add3A_49 {offsets = [768, 0], sizes = [256, 64], strides = [1, 1]} : vector<2048x64xf32> to vector<256x64xf32>
    %dot_general3A_83 = arith.constant dense<0.000000e+00> : vector<256x64xf32>
    %dot_general3A_84 = tpu.matmul %convert_element_type3A_53, %slice3A_82, %dot_general3A_83 {dimension_numbers = #tpu.dot_dimension_numbers<[1], [0], [0], [1], [0, 0, 1, 1], [], []>, transpose_lhs_hint = false} : vector<256x256xf32>, vector<256x64xf32>, vector<256x64xf32> -> vector<256x64xf32>
    %add3A_85 = vector.broadcast %add3A_81 : vector<1x64xf32> to vector<256x64xf32>
    %add3A_86 = arith.addf %dot_general3A_84, %add3A_85 : vector<256x64xf32>
    %reduce_sum3A_87 = arith.constant dense<0.000000e+00> : vector<64xf32>
    %reduce_sum3A_88 = vector.multi_reduction <add>, %slice3A_82, %reduce_sum3A_87 [0] : vector<256x64xf32> to vector<64xf32>
    %broadcast_in_dim3A_89 = vector.shape_cast %reduce_sum3A_88 : vector<64xf32> to vector<1x64xf32>
    %add3A_90 = arith.addf %add3A_81, %broadcast_in_dim3A_89 : vector<1x64xf32>
    %slice3A_91 = vector.extract_strided_slice %add3A_49 {offsets = [1024, 0], sizes = [256, 64], strides = [1, 1]} : vector<2048x64xf32> to vector<256x64xf32>
    %dot_general3A_92 = arith.constant dense<0.000000e+00> : vector<256x64xf32>
    %dot_general3A_93 = tpu.matmul %convert_element_type3A_53, %slice3A_91, %dot_general3A_92 {dimension_numbers = #tpu.dot_dimension_numbers<[1], [0], [0], [1], [0, 0, 1, 1], [], []>, transpose_lhs_hint = false} : vector<256x256xf32>, vector<256x64xf32>, vector<256x64xf32> -> vector<256x64xf32>
    %add3A_94 = vector.broadcast %add3A_90 : vector<1x64xf32> to vector<256x64xf32>
    %add3A_95 = arith.addf %dot_general3A_93, %add3A_94 : vector<256x64xf32>
    %reduce_sum3A_96 = arith.constant dense<0.000000e+00> : vector<64xf32>
    %reduce_sum3A_97 = vector.multi_reduction <add>, %slice3A_91, %reduce_sum3A_96 [0] : vector<256x64xf32> to vector<64xf32>
    %broadcast_in_dim3A_98 = vector.shape_cast %reduce_sum3A_97 : vector<64xf32> to vector<1x64xf32>
    %add3A_99 = arith.addf %add3A_90, %broadcast_in_dim3A_98 : vector<1x64xf32>
    %slice3A_100 = vector.extract_strided_slice %add3A_49 {offsets = [1280, 0], sizes = [256, 64], strides = [1, 1]} : vector<2048x64xf32> to vector<256x64xf32>
    %dot_general3A_101 = arith.constant dense<0.000000e+00> : vector<256x64xf32>
    %dot_general3A_102 = tpu.matmul %convert_element_type3A_53, %slice3A_100, %dot_general3A_101 {dimension_numbers = #tpu.dot_dimension_numbers<[1], [0], [0], [1], [0, 0, 1, 1], [], []>, transpose_lhs_hint = false} : vector<256x256xf32>, vector<256x64xf32>, vector<256x64xf32> -> vector<256x64xf32>
    %add3A_103 = vector.broadcast %add3A_99 : vector<1x64xf32> to vector<256x64xf32>
    %add3A_104 = arith.addf %dot_general3A_102, %add3A_103 : vector<256x64xf32>
    %reduce_sum3A_105 = arith.constant dense<0.000000e+00> : vector<64xf32>
    %reduce_sum3A_106 = vector.multi_reduction <add>, %slice3A_100, %reduce_sum3A_105 [0] : vector<256x64xf32> to vector<64xf32>
    %broadcast_in_dim3A_107 = vector.shape_cast %reduce_sum3A_106 : vector<64xf32> to vector<1x64xf32>
    %add3A_108 = arith.addf %add3A_99, %broadcast_in_dim3A_107 : vector<1x64xf32>
    %slice3A_109 = vector.extract_strided_slice %add3A_49 {offsets = [1536, 0], sizes = [256, 64], strides = [1, 1]} : vector<2048x64xf32> to vector<256x64xf32>
    %dot_general3A_110 = arith.constant dense<0.000000e+00> : vector<256x64xf32>
    %dot_general3A_111 = tpu.matmul %convert_element_type3A_53, %slice3A_109, %dot_general3A_110 {dimension_numbers = #tpu.dot_dimension_numbers<[1], [0], [0], [1], [0, 0, 1, 1], [], []>, transpose_lhs_hint = false} : vector<256x256xf32>, vector<256x64xf32>, vector<256x64xf32> -> vector<256x64xf32>
    %add3A_112 = vector.broadcast %add3A_108 : vector<1x64xf32> to vector<256x64xf32>
    %add3A_113 = arith.addf %dot_general3A_111, %add3A_112 : vector<256x64xf32>
    %reduce_sum3A_114 = arith.constant dense<0.000000e+00> : vector<64xf32>
    %reduce_sum3A_115 = vector.multi_reduction <add>, %slice3A_109, %reduce_sum3A_114 [0] : vector<256x64xf32> to vector<64xf32>
    %broadcast_in_dim3A_116 = vector.shape_cast %reduce_sum3A_115 : vector<64xf32> to vector<1x64xf32>
    %add3A_117 = arith.addf %add3A_108, %broadcast_in_dim3A_116 : vector<1x64xf32>
    %slice3A_118 = vector.extract_strided_slice %add3A_49 {offsets = [1792, 0], sizes = [256, 64], strides = [1, 1]} : vector<2048x64xf32> to vector<256x64xf32>
    %dot_general3A_119 = arith.constant dense<0.000000e+00> : vector<256x64xf32>
    %dot_general3A_120 = tpu.matmul %convert_element_type3A_53, %slice3A_118, %dot_general3A_119 {dimension_numbers = #tpu.dot_dimension_numbers<[1], [0], [0], [1], [0, 0, 1, 1], [], []>, transpose_lhs_hint = false} : vector<256x256xf32>, vector<256x64xf32>, vector<256x64xf32> -> vector<256x64xf32>
    %add3A_121 = vector.broadcast %add3A_117 : vector<1x64xf32> to vector<256x64xf32>
    %add3A_122 = arith.addf %dot_general3A_120, %add3A_121 : vector<256x64xf32>
    %concatenate3A = tpu.concatenate %add3A_59, %add3A_68, %add3A_77, %add3A_86, %add3A_95, %add3A_104, %add3A_113, %add3A_122 in 0 : vector<256x64xf32>, vector<256x64xf32>, vector<256x64xf32>, vector<256x64xf32>, vector<256x64xf32>, vector<256x64xf32>, vector<256x64xf32>, vector<256x64xf32> -> vector<2048x64xf32>
    %mul3A = arith.mulf %concatenate3A, %convert_element_type3A_46 : vector<2048x64xf32>
    %reduce_sum3A_123 = arith.constant dense<0.000000e+00> : vector<2048xf32>
    %reduce_sum3A_124 = vector.multi_reduction <add>, %mul3A, %reduce_sum3A_123 [1] : vector<2048x64xf32> to vector<2048xf32>
    %broadcast_in_dim3A_125 = vector.shape_cast %reduce_sum3A_124 : vector<2048xf32> to vector<2048x1xf32>
    %convert_element_type3A_126 = arith.fptosi %broadcast_in_dim3A_125 : vector<2048x1xf32> to vector<2048x1xi32>
    %mul3A_127 = arith.mulf %concatenate3A, %convert_element_type3A_48 : vector<2048x64xf32>
    %reduce_sum3A_128 = arith.constant dense<0.000000e+00> : vector<2048xf32>
    %reduce_sum3A_129 = vector.multi_reduction <add>, %mul3A_127, %reduce_sum3A_128 [1] : vector<2048x64xf32> to vector<2048xf32>
    %broadcast_in_dim3A_130 = vector.shape_cast %reduce_sum3A_129 : vector<2048xf32> to vector<2048x1xf32>
    %convert_element_type3A_131 = arith.fptosi %broadcast_in_dim3A_130 : vector<2048x1xf32> to vector<2048x1xi32>
    %lt3A = arith.constant 80 : i32
    %lt3A_132 = vector.broadcast %lt3A : i32 to vector<2048x1xi32>
    %lt3A_133 = arith.cmpi slt, %convert_element_type3A_126, %lt3A_132 : vector<2048x1xi32>
    %lt3A_134 = arith.constant 80 : i32
    %lt3A_135 = vector.broadcast %lt3A_134 : i32 to vector<2048x1xi32>
    %lt3A_136 = arith.cmpi slt, %convert_element_type3A_131, %lt3A_135 : vector<2048x1xi32>
    %mul3A_137 = arith.constant 80 : i32
    %mul3A_138 = vector.broadcast %mul3A_137 : i32 to vector<2048x1xi32>
    %mul3A_139 = arith.muli %broadcast_in_dim3A_21, %mul3A_138 : vector<2048x1xi32>
    %add3A_140 = arith.addi %mul3A_139, %convert_element_type3A_126 : vector<2048x1xi32>
    %mul3A_141 = arith.constant 80 : i32
    %mul3A_142 = vector.broadcast %mul3A_141 : i32 to vector<2048x1xi32>
    %mul3A_143 = arith.muli %broadcast_in_dim3A_37, %mul3A_142 : vector<2048x1xi32>
    %add3A_144 = arith.addi %mul3A_143, %convert_element_type3A_131 : vector<2048x1xi32>
    %slice3A_145 = vector.extract_strided_slice %broadcast_in_dim3A_21 {offsets = [0, 0], sizes = [1, 1], strides = [1, 1]} : vector<2048x1xi32> to vector<1x1xi32>
    %mul3A_146 = arith.constant 80 : i32
    %mul3A_147 = vector.broadcast %mul3A_146 : i32 to vector<1x1xi32>
    %mul3A_148 = arith.muli %slice3A_145, %mul3A_147 : vector<1x1xi32>
    %broadcast_in_dim3A_149 = vector.shape_cast %mul3A_148 : vector<1x1xi32> to vector<1x1xi32>
    %broadcast_in_dim3A_150 = vector.broadcast %broadcast_in_dim3A_149 : vector<1x1xi32> to vector<2048x1xi32>
    %iota3A_151 = tpu.iota {dimensions = array<i32: 0>} : vector<2048x1xi32>
    %select_n3A_152 = arith.select %lt3A_133, %add3A_140, %broadcast_in_dim3A_150 : vector<2048x1xi1>, vector<2048x1xi32>
    %select_n3A_153 = arith.select %lt3A_136, %add3A_144, %broadcast_in_dim3A_150 : vector<2048x1xi1>, vector<2048x1xi32>
    %concatenate3A_154 = tpu.concatenate %select_n3A_152, %select_n3A_153 in 1 : vector<2048x1xi32>, vector<2048x1xi32> -> vector<2048x2xi32>
    %swap3A = arith.constant 0 : index
    %swap3A_155 = arith.constant 0 : index
    %swap3A_156 = vector.load %arg3[%swap3A, %swap3A_155] : memref<2048x2xi32, #tpu.memory_space<vmem>>, vector<2048x2xi32>
    tpu.vector_store %arg3[%swap3A, %swap3A_155], %concatenate3A_154 {strides = array<i32>} : memref<2048x2xi32, #tpu.memory_space<vmem>>, vector<2048x2xi32>,
    %jit3A_157 = arith.constant 0.000000e+00 : f32
    %broadcast_in_dim3A_158 = vector.broadcast %jit3A_157 : f32 to vector<2048x1xf32>
    %select_n3A_159 = arith.select %lt3A_133, %div3A_44, %broadcast_in_dim3A_158 : vector<2048x1xi1>, vector<2048x1xf32>
    %jit3A_160 = arith.constant 0.000000e+00 : f32
    %broadcast_in_dim3A_161 = vector.broadcast %jit3A_160 : f32 to vector<2048x1xf32>
    %select_n3A_162 = arith.select %lt3A_136, %div3A_45, %broadcast_in_dim3A_161 : vector<2048x1xi1>, vector<2048x1xf32>
    %concatenate3A_163 = tpu.concatenate %select_n3A_159, %select_n3A_162 in 1 : vector<2048x1xf32>, vector<2048x1xf32> -> vector<2048x2xf32>
    %swap3A_164 = arith.constant 0 : index
    %swap3A_165 = arith.constant 0 : index
    %swap3A_166 = vector.load %arg4[%swap3A_164, %swap3A_165] : memref<2048x2xf32, #tpu.memory_space<vmem>>, vector<2048x2xf32>
    tpu.vector_store %arg4[%swap3A_164, %swap3A_165], %concatenate3A_163 {strides = array<i32>} : memref<2048x2xf32, #tpu.memory_space<vmem>>, vector<2048x2xf32>,
    %mul3A_167 = arith.constant 2 : i32
    %mul3A_168 = vector.broadcast %mul3A_167 : i32 to vector<2048x1xi32>
    %mul3A_169 = arith.muli %mul3A_168, %iota3A_151 : vector<2048x1xi32>
    %add3A_170 = arith.constant 5120 : i32
    %add3A_171 = vector.broadcast %add3A_170 : i32 to vector<2048x1xi32>
    %add3A_172 = arith.addi %add3A_171, %mul3A_169 : vector<2048x1xi32>
    %select_n3A_173 = arith.select %lt3A_133, %add3A_140, %add3A_172 : vector<2048x1xi1>, vector<2048x1xi32>
    %mul3A_174 = arith.constant 2 : i32
    %mul3A_175 = vector.broadcast %mul3A_174 : i32 to vector<2048x1xi32>
    %mul3A_176 = arith.muli %mul3A_175, %iota3A_151 : vector<2048x1xi32>
    %add3A_177 = arith.constant 5120 : i32
    %add3A_178 = vector.broadcast %add3A_177 : i32 to vector<2048x1xi32>
    %add3A_179 = arith.addi %add3A_178, %mul3A_176 : vector<2048x1xi32>
    %add3A_180 = arith.constant 1 : i32
    %add3A_181 = vector.broadcast %add3A_180 : i32 to vector<2048x1xi32>
    %add3A_182 = arith.addi %add3A_179, %add3A_181 : vector<2048x1xi32>
    %select_n3A_183 = arith.select %lt3A_136, %add3A_144, %add3A_182 : vector<2048x1xi1>, vector<2048x1xi32>
    %concatenate3A_184 = tpu.concatenate %select_n3A_173, %select_n3A_183 in 1 : vector<2048x1xi32>, vector<2048x1xi32> -> vector<2048x2xi32>
    %swap3A_185 = arith.constant 0 : index
    %swap3A_186 = arith.constant 0 : index
    %swap3A_187 = vector.load %arg5[%swap3A_185, %swap3A_186] : memref<2048x2xi32, #tpu.memory_space<vmem>>, vector<2048x2xi32>
    tpu.vector_store %arg5[%swap3A_185, %swap3A_186], %concatenate3A_184 {strides = array<i32>} : memref<2048x2xi32, #tpu.memory_space<vmem>>, vector<2048x2xi32>,
    return
  }
}

module attributes {stable_mosaic.version = 14 : i64} {
  func.func @_expert_body(%arg0: i32, %arg1: memref<80x768xf32, #tpu.memory_space<vmem>>, %arg2: memref<1x768x768xf32, #tpu.memory_space<vmem>>, %arg3: memref<1x1x768xf32, #tpu.memory_space<vmem>>, %arg4: memref<1x768x768xf32, #tpu.memory_space<vmem>>, %arg5: memref<1x1x768xf32, #tpu.memory_space<vmem>>, %arg6: memref<1x768x768xf32, #tpu.memory_space<vmem>>, %arg7: memref<1x1x768xf32, #tpu.memory_space<vmem>>, %arg8: memref<80x768xf32, #tpu.memory_space<vmem>>) attributes {dimension_semantics = [#tpu.dimension_semantics<arbitrary>], iteration_bounds = array<i64: 64>, scalar_prefetch = 0 : i64, scratch_operands = 0 : i64, tpu.core_type = #tpu.core_type<tc>, window_params = [{transform_indices = @transform_0, window_bounds = array<i64: 80, 768>}, {transform_indices = @transform_1, window_bounds = array<i64: 1, 768, 768>}, {transform_indices = @transform_2, window_bounds = array<i64: 1, 1, 768>}, {transform_indices = @transform_3, window_bounds = array<i64: 1, 768, 768>}, {transform_indices = @transform_4, window_bounds = array<i64: 1, 1, 768>}, {transform_indices = @transform_5, window_bounds = array<i64: 1, 768, 768>}, {transform_indices = @transform_6, window_bounds = array<i64: 1, 1, 768>}, {transform_indices = @transform_7, window_bounds = array<i64: 80, 768>}]} {
    %get3A = arith.constant 0 : index
    %get3A_0 = arith.constant 0 : index
    %get3A_1 = vector.load %arg1[%get3A, %get3A_0] : memref<80x768xf32, #tpu.memory_space<vmem>>, vector<80x768xf32>
    %get3A_2 = arith.constant 0 : index
    %get3A_3 = arith.constant 0 : index
    %get3A_4 = arith.constant 0 : index
    %get3A_5 = vector.load %arg2[%get3A_2, %get3A_3, %get3A_4] : memref<1x768x768xf32, #tpu.memory_space<vmem>>, vector<1x768x768xf32>
    %get3A_6 = vector.shape_cast %get3A_5 : vector<1x768x768xf32> to vector<768x768xf32>
    %dot_general3A = arith.constant dense<0.000000e+00> : vector<80x768xf32>
    %dot_general3A_7 = tpu.matmul %get3A_1, %get3A_6, %dot_general3A {dimension_numbers = #tpu.dot_dimension_numbers<[1], [0], [0], [1], [0, 0, 1, 1], [], []>, transpose_lhs_hint = false} : vector<80x768xf32>, vector<768x768xf32>, vector<80x768xf32> -> vector<80x768xf32>
    %get3A_8 = arith.constant 0 : index
    %get3A_9 = arith.constant 0 : index
    %get3A_10 = arith.constant 0 : index
    %get3A_11 = vector.load %arg3[%get3A_8, %get3A_9, %get3A_10] : memref<1x1x768xf32, #tpu.memory_space<vmem>>, vector<1x1x768xf32>
    %get3A_12 = vector.shape_cast %get3A_11 : vector<1x1x768xf32> to vector<1x768xf32>
    %add3A = vector.broadcast %get3A_12 : vector<1x768xf32> to vector<80x768xf32>
    %add3A_13 = arith.addf %dot_general3A_7, %add3A : vector<80x768xf32>
    %get3A_14 = arith.constant 0 : index
    %get3A_15 = arith.constant 0 : index
    %get3A_16 = arith.constant 0 : index
    %get3A_17 = vector.load %arg4[%get3A_14, %get3A_15, %get3A_16] : memref<1x768x768xf32, #tpu.memory_space<vmem>>, vector<1x768x768xf32>
    %get3A_18 = vector.shape_cast %get3A_17 : vector<1x768x768xf32> to vector<768x768xf32>
    %dot_general3A_19 = arith.constant dense<0.000000e+00> : vector<80x768xf32>
    %dot_general3A_20 = tpu.matmul %get3A_1, %get3A_18, %dot_general3A_19 {dimension_numbers = #tpu.dot_dimension_numbers<[1], [0], [0], [1], [0, 0, 1, 1], [], []>, transpose_lhs_hint = false} : vector<80x768xf32>, vector<768x768xf32>, vector<80x768xf32> -> vector<80x768xf32>
    %get3A_21 = arith.constant 0 : index
    %get3A_22 = arith.constant 0 : index
    %get3A_23 = arith.constant 0 : index
    %get3A_24 = vector.load %arg5[%get3A_21, %get3A_22, %get3A_23] : memref<1x1x768xf32, #tpu.memory_space<vmem>>, vector<1x1x768xf32>
    %get3A_25 = vector.shape_cast %get3A_24 : vector<1x1x768xf32> to vector<1x768xf32>
    %add3A_26 = vector.broadcast %get3A_25 : vector<1x768xf32> to vector<80x768xf32>
    %add3A_27 = arith.addf %dot_general3A_20, %add3A_26 : vector<80x768xf32>
    %logistic3A = arith.negf %add3A_13 : vector<80x768xf32>
    %logistic3A_28 = math.exp %logistic3A : vector<80x768xf32>
    %logistic3A_29 = arith.constant 1.000000e+00 : f32
    %logistic3A_30 = vector.broadcast %logistic3A_29 : f32 to vector<80x768xf32>
    %logistic3A_31 = arith.addf %logistic3A_30, %logistic3A_28 : vector<80x768xf32>
    %logistic3A_32 = arith.divf %logistic3A_30, %logistic3A_31 : vector<80x768xf32>
    %mul3A = arith.mulf %add3A_13, %logistic3A_32 : vector<80x768xf32>
    %mul3A_33 = arith.mulf %mul3A, %add3A_27 : vector<80x768xf32>
    %get3A_34 = arith.constant 0 : index
    %get3A_35 = arith.constant 0 : index
    %get3A_36 = arith.constant 0 : index
    %get3A_37 = vector.load %arg6[%get3A_34, %get3A_35, %get3A_36] : memref<1x768x768xf32, #tpu.memory_space<vmem>>, vector<1x768x768xf32>
    %get3A_38 = vector.shape_cast %get3A_37 : vector<1x768x768xf32> to vector<768x768xf32>
    %dot_general3A_39 = arith.constant dense<0.000000e+00> : vector<80x768xf32>
    %dot_general3A_40 = tpu.matmul %mul3A_33, %get3A_38, %dot_general3A_39 {dimension_numbers = #tpu.dot_dimension_numbers<[1], [0], [0], [1], [0, 0, 1, 1], [], []>, transpose_lhs_hint = false} : vector<80x768xf32>, vector<768x768xf32>, vector<80x768xf32> -> vector<80x768xf32>
    %get3A_41 = arith.constant 0 : index
    %get3A_42 = arith.constant 0 : index
    %get3A_43 = arith.constant 0 : index
    %get3A_44 = vector.load %arg7[%get3A_41, %get3A_42, %get3A_43] : memref<1x1x768xf32, #tpu.memory_space<vmem>>, vector<1x1x768xf32>
    %get3A_45 = vector.shape_cast %get3A_44 : vector<1x1x768xf32> to vector<1x768xf32>
    %add3A_46 = vector.broadcast %get3A_45 : vector<1x768xf32> to vector<80x768xf32>
    %add3A_47 = arith.addf %dot_general3A_40, %add3A_46 : vector<80x768xf32>
    %swap3A = arith.constant 0 : index
    %swap3A_48 = arith.constant 0 : index
    %swap3A_49 = vector.load %arg8[%swap3A, %swap3A_48] : memref<80x768xf32, #tpu.memory_space<vmem>>, vector<80x768xf32>
    tpu.vector_store %arg8[%swap3A, %swap3A_48], %add3A_47 {strides = array<i32>} : memref<80x768xf32, #tpu.memory_space<vmem>>, vector<80x768xf32>,
    return
  }
  func.func @transform_0(%arg0: i32) -> (i32, i32) {
    %c0_i32 = arith.constant 0 : i32
    %c0_i32_0 = arith.constant 0 : i32
    return %arg0, %c0_i32 : i32, i32
  }
  func.func @transform_1(%arg0: i32) -> (i32, i32, i32) {
    %c0_i32 = arith.constant 0 : i32
    %c0_i32_0 = arith.constant 0 : i32
    %c0_i32_1 = arith.constant 0 : i32
    return %arg0, %c0_i32, %c0_i32_0 : i32, i32, i32
  }
  func.func @transform_2(%arg0: i32) -> (i32, i32, i32) {
    %c0_i32 = arith.constant 0 : i32
    %c0_i32_0 = arith.constant 0 : i32
    %c0_i32_1 = arith.constant 0 : i32
    return %arg0, %c0_i32, %c0_i32_0 : i32, i32, i32
  }
  func.func @transform_3(%arg0: i32) -> (i32, i32, i32) {
    %c0_i32 = arith.constant 0 : i32
    %c0_i32_0 = arith.constant 0 : i32
    %c0_i32_1 = arith.constant 0 : i32
    return %arg0, %c0_i32, %c0_i32_0 : i32, i32, i32
  }
  func.func @transform_4(%arg0: i32) -> (i32, i32, i32) {
    %c0_i32 = arith.constant 0 : i32
    %c0_i32_0 = arith.constant 0 : i32
    %c0_i32_1 = arith.constant 0 : i32
    return %arg0, %c0_i32, %c0_i32_0 : i32, i32, i32
  }
  func.func @transform_5(%arg0: i32) -> (i32, i32, i32) {
    %c0_i32 = arith.constant 0 : i32
    %c0_i32_0 = arith.constant 0 : i32
    %c0_i32_1 = arith.constant 0 : i32
    return %arg0, %c0_i32, %c0_i32_0 : i32, i32, i32
  }
  func.func @transform_6(%arg0: i32) -> (i32, i32, i32) {
    %c0_i32 = arith.constant 0 : i32
    %c0_i32_0 = arith.constant 0 : i32
    %c0_i32_1 = arith.constant 0 : i32
    return %arg0, %c0_i32, %c0_i32_0 : i32, i32, i32
  }
  func.func @transform_7(%arg0: i32) -> (i32, i32) {
    %c0_i32 = arith.constant 0 : i32
    %c0_i32_0 = arith.constant 0 : i32
    return %arg0, %c0_i32 : i32, i32
  }
}

module attributes {stable_mosaic.version = 14 : i64} {
  func.func @_shared_body(%arg0: i32, %arg1: memref<256x768xf32, #tpu.memory_space<vmem>>, %arg2: memref<768x768xf32, #tpu.memory_space<vmem>>, %arg3: memref<1x768xf32, #tpu.memory_space<vmem>>, %arg4: memref<768x768xf32, #tpu.memory_space<vmem>>, %arg5: memref<1x768xf32, #tpu.memory_space<vmem>>, %arg6: memref<768x768xf32, #tpu.memory_space<vmem>>, %arg7: memref<1x768xf32, #tpu.memory_space<vmem>>, %arg8: memref<256x768xf32, #tpu.memory_space<vmem>>) attributes {dimension_semantics = [#tpu.dimension_semantics<arbitrary>], iteration_bounds = array<i64: 8>, scalar_prefetch = 0 : i64, scratch_operands = 0 : i64, tpu.core_type = #tpu.core_type<tc>, window_params = [{transform_indices = @transform_0, window_bounds = array<i64: 256, 768>}, {pipeline_mode = #tpu.pipeline_mode<synchronous>, transform_indices = @transform_1, window_bounds = array<i64: 768, 768>}, {pipeline_mode = #tpu.pipeline_mode<synchronous>, transform_indices = @transform_2, window_bounds = array<i64: 1, 768>}, {pipeline_mode = #tpu.pipeline_mode<synchronous>, transform_indices = @transform_3, window_bounds = array<i64: 768, 768>}, {pipeline_mode = #tpu.pipeline_mode<synchronous>, transform_indices = @transform_4, window_bounds = array<i64: 1, 768>}, {pipeline_mode = #tpu.pipeline_mode<synchronous>, transform_indices = @transform_5, window_bounds = array<i64: 768, 768>}, {pipeline_mode = #tpu.pipeline_mode<synchronous>, transform_indices = @transform_6, window_bounds = array<i64: 1, 768>}, {transform_indices = @transform_7, window_bounds = array<i64: 256, 768>}]} {
    %get3A = arith.constant 0 : index
    %get3A_0 = arith.constant 0 : index
    %get3A_1 = vector.load %arg1[%get3A, %get3A_0] : memref<256x768xf32, #tpu.memory_space<vmem>>, vector<256x768xf32>
    %convert_element_type3A = arith.truncf %get3A_1 : vector<256x768xf32> to vector<256x768xbf16>
    %get3A_2 = arith.constant 0 : index
    %get3A_3 = arith.constant 0 : index
    %get3A_4 = vector.load %arg2[%get3A_2, %get3A_3] : memref<768x768xf32, #tpu.memory_space<vmem>>, vector<768x768xf32>
    %convert_element_type3A_5 = arith.truncf %get3A_4 : vector<768x768xf32> to vector<768x768xbf16>
    %dot_general3A = arith.constant dense<0.000000e+00> : vector<256x768xf32>
    %dot_general3A_6 = tpu.matmul %convert_element_type3A, %convert_element_type3A_5, %dot_general3A {dimension_numbers = #tpu.dot_dimension_numbers<[1], [0], [0], [1], [0, 0, 1, 1], [], []>, transpose_lhs_hint = false} : vector<256x768xbf16>, vector<768x768xbf16>, vector<256x768xf32> -> vector<256x768xf32>
    %get3A_7 = arith.constant 0 : index
    %get3A_8 = arith.constant 0 : index
    %get3A_9 = vector.load %arg3[%get3A_7, %get3A_8] : memref<1x768xf32, #tpu.memory_space<vmem>>, vector<1x768xf32>
    %add3A = vector.broadcast %get3A_9 : vector<1x768xf32> to vector<256x768xf32>
    %add3A_10 = arith.addf %dot_general3A_6, %add3A : vector<256x768xf32>
    %get3A_11 = arith.constant 0 : index
    %get3A_12 = arith.constant 0 : index
    %get3A_13 = vector.load %arg4[%get3A_11, %get3A_12] : memref<768x768xf32, #tpu.memory_space<vmem>>, vector<768x768xf32>
    %convert_element_type3A_14 = arith.truncf %get3A_13 : vector<768x768xf32> to vector<768x768xbf16>
    %dot_general3A_15 = arith.constant dense<0.000000e+00> : vector<256x768xf32>
    %dot_general3A_16 = tpu.matmul %convert_element_type3A, %convert_element_type3A_14, %dot_general3A_15 {dimension_numbers = #tpu.dot_dimension_numbers<[1], [0], [0], [1], [0, 0, 1, 1], [], []>, transpose_lhs_hint = false} : vector<256x768xbf16>, vector<768x768xbf16>, vector<256x768xf32> -> vector<256x768xf32>
    %get3A_17 = arith.constant 0 : index
    %get3A_18 = arith.constant 0 : index
    %get3A_19 = vector.load %arg5[%get3A_17, %get3A_18] : memref<1x768xf32, #tpu.memory_space<vmem>>, vector<1x768xf32>
    %add3A_20 = vector.broadcast %get3A_19 : vector<1x768xf32> to vector<256x768xf32>
    %add3A_21 = arith.addf %dot_general3A_16, %add3A_20 : vector<256x768xf32>
    %logistic3A = arith.negf %add3A_10 : vector<256x768xf32>
    %logistic3A_22 = math.exp %logistic3A : vector<256x768xf32>
    %logistic3A_23 = arith.constant 1.000000e+00 : f32
    %logistic3A_24 = vector.broadcast %logistic3A_23 : f32 to vector<256x768xf32>
    %logistic3A_25 = arith.addf %logistic3A_24, %logistic3A_22 : vector<256x768xf32>
    %logistic3A_26 = arith.divf %logistic3A_24, %logistic3A_25 : vector<256x768xf32>
    %mul3A = arith.mulf %add3A_10, %logistic3A_26 : vector<256x768xf32>
    %mul3A_27 = arith.mulf %mul3A, %add3A_21 : vector<256x768xf32>
    %convert_element_type3A_28 = arith.truncf %mul3A_27 : vector<256x768xf32> to vector<256x768xbf16>
    %get3A_29 = arith.constant 0 : index
    %get3A_30 = arith.constant 0 : index
    %get3A_31 = vector.load %arg6[%get3A_29, %get3A_30] : memref<768x768xf32, #tpu.memory_space<vmem>>, vector<768x768xf32>
    %convert_element_type3A_32 = arith.truncf %get3A_31 : vector<768x768xf32> to vector<768x768xbf16>
    %dot_general3A_33 = arith.constant dense<0.000000e+00> : vector<256x768xf32>
    %dot_general3A_34 = tpu.matmul %convert_element_type3A_28, %convert_element_type3A_32, %dot_general3A_33 {dimension_numbers = #tpu.dot_dimension_numbers<[1], [0], [0], [1], [0, 0, 1, 1], [], []>, transpose_lhs_hint = false} : vector<256x768xbf16>, vector<768x768xbf16>, vector<256x768xf32> -> vector<256x768xf32>
    %add3A_35 = arith.addf %get3A_1, %dot_general3A_34 : vector<256x768xf32>
    %get3A_36 = arith.constant 0 : index
    %get3A_37 = arith.constant 0 : index
    %get3A_38 = vector.load %arg7[%get3A_36, %get3A_37] : memref<1x768xf32, #tpu.memory_space<vmem>>, vector<1x768xf32>
    %add3A_39 = vector.broadcast %get3A_38 : vector<1x768xf32> to vector<256x768xf32>
    %add3A_40 = arith.addf %add3A_35, %add3A_39 : vector<256x768xf32>
    %swap3A = arith.constant 0 : index
    %swap3A_41 = arith.constant 0 : index
    %swap3A_42 = vector.load %arg8[%swap3A, %swap3A_41] : memref<256x768xf32, #tpu.memory_space<vmem>>, vector<256x768xf32>
    tpu.vector_store %arg8[%swap3A, %swap3A_41], %add3A_40 {strides = array<i32>} : memref<256x768xf32, #tpu.memory_space<vmem>>, vector<256x768xf32>,
    return
  }
  func.func @transform_0(%arg0: i32) -> (i32, i32) {
    %c0_i32 = arith.constant 0 : i32
    %c0_i32_0 = arith.constant 0 : i32
    return %arg0, %c0_i32 : i32, i32
  }
  func.func @transform_1(%arg0: i32) -> (i32, i32) {
    %c0_i32 = arith.constant 0 : i32
    %c0_i32_0 = arith.constant 0 : i32
    %c0_i32_1 = arith.constant 0 : i32
    return %c0_i32, %c0_i32_0 : i32, i32
  }
  func.func @transform_2(%arg0: i32) -> (i32, i32) {
    %c0_i32 = arith.constant 0 : i32
    %c0_i32_0 = arith.constant 0 : i32
    %c0_i32_1 = arith.constant 0 : i32
    return %c0_i32, %c0_i32_0 : i32, i32
  }
  func.func @transform_3(%arg0: i32) -> (i32, i32) {
    %c0_i32 = arith.constant 0 : i32
    %c0_i32_0 = arith.constant 0 : i32
    %c0_i32_1 = arith.constant 0 : i32
    return %c0_i32, %c0_i32_0 : i32, i32
  }
  func.func @transform_4(%arg0: i32) -> (i32, i32) {
    %c0_i32 = arith.constant 0 : i32
    %c0_i32_0 = arith.constant 0 : i32
    %c0_i32_1 = arith.constant 0 : i32
    return %c0_i32, %c0_i32_0 : i32, i32
  }
  func.func @transform_5(%arg0: i32) -> (i32, i32) {
    %c0_i32 = arith.constant 0 : i32
    %c0_i32_0 = arith.constant 0 : i32
    %c0_i32_1 = arith.constant 0 : i32
    return %c0_i32, %c0_i32_0 : i32, i32
  }
  func.func @transform_6(%arg0: i32) -> (i32, i32) {
    %c0_i32 = arith.constant 0 : i32
    %c0_i32_0 = arith.constant 0 : i32
    %c0_i32_1 = arith.constant 0 : i32
    return %c0_i32, %c0_i32_0 : i32, i32
  }
  func.func @transform_7(%arg0: i32) -> (i32, i32) {
    %c0_i32 = arith.constant 0 : i32
    %c0_i32_0 = arith.constant 0 : i32
    return %arg0, %c0_i32 : i32, i32
  }
}

module attributes {stable_mosaic.version = 14 : i64} {
  func.func @_wsum_body(%arg0: i32, %arg1: memref<256x768xf32, #tpu.memory_space<vmem>>, %arg2: memref<256x768xf32, #tpu.memory_space<vmem>>, %arg3: memref<256x768xf32, #tpu.memory_space<vmem>>, %arg4: memref<256x2xf32, #tpu.memory_space<vmem>>, %arg5: memref<256x768xf32, #tpu.memory_space<vmem>>) attributes {dimension_semantics = [#tpu.dimension_semantics<arbitrary>], iteration_bounds = array<i64: 8>, scalar_prefetch = 0 : i64, scratch_operands = 0 : i64, tpu.core_type = #tpu.core_type<tc>, window_params = [{transform_indices = @transform_0, window_bounds = array<i64: 256, 768>}, {transform_indices = @transform_1, window_bounds = array<i64: 256, 768>}, {transform_indices = @transform_2, window_bounds = array<i64: 256, 768>}, {transform_indices = @transform_3, window_bounds = array<i64: 256, 2>}, {transform_indices = @transform_4, window_bounds = array<i64: 256, 768>}]} {
    %get3A = arith.constant 0 : index
    %get3A_0 = arith.constant 0 : index
    %get3A_1 = vector.load %arg4[%get3A, %get3A_0] : memref<256x2xf32, #tpu.memory_space<vmem>>, vector<256x2xf32>
    %get3A_2 = arith.constant 0 : index
    %get3A_3 = arith.constant 0 : index
    %get3A_4 = vector.load %arg1[%get3A_2, %get3A_3] : memref<256x768xf32, #tpu.memory_space<vmem>>, vector<256x768xf32>
    %slice3A = vector.extract_strided_slice %get3A_1 {offsets = [0, 0], sizes = [256, 1], strides = [1, 1]} : vector<256x2xf32> to vector<256x1xf32>
    %get3A_5 = arith.constant 0 : index
    %get3A_6 = arith.constant 0 : index
    %get3A_7 = vector.load %arg2[%get3A_5, %get3A_6] : memref<256x768xf32, #tpu.memory_space<vmem>>, vector<256x768xf32>
    %mul3A = vector.broadcast %slice3A : vector<256x1xf32> to vector<256x768xf32>
    %mul3A_8 = arith.mulf %mul3A, %get3A_7 : vector<256x768xf32>
    %add3A = arith.addf %get3A_4, %mul3A_8 : vector<256x768xf32>
    %slice3A_9 = vector.extract_strided_slice %get3A_1 {offsets = [0, 1], sizes = [256, 1], strides = [1, 1]} : vector<256x2xf32> to vector<256x1xf32>
    %get3A_10 = arith.constant 0 : index
    %get3A_11 = arith.constant 0 : index
    %get3A_12 = vector.load %arg3[%get3A_10, %get3A_11] : memref<256x768xf32, #tpu.memory_space<vmem>>, vector<256x768xf32>
    %mul3A_13 = vector.broadcast %slice3A_9 : vector<256x1xf32> to vector<256x768xf32>
    %mul3A_14 = arith.mulf %mul3A_13, %get3A_12 : vector<256x768xf32>
    %add3A_15 = arith.addf %add3A, %mul3A_14 : vector<256x768xf32>
    %swap3A = arith.constant 0 : index
    %swap3A_16 = arith.constant 0 : index
    %swap3A_17 = vector.load %arg5[%swap3A, %swap3A_16] : memref<256x768xf32, #tpu.memory_space<vmem>>, vector<256x768xf32>
    tpu.vector_store %arg5[%swap3A, %swap3A_16], %add3A_15 {strides = array<i32>} : memref<256x768xf32, #tpu.memory_space<vmem>>, vector<256x768xf32>,
    return
  }
  func.func @transform_0(%arg0: i32) -> (i32, i32) {
    %c0_i32 = arith.constant 0 : i32
    %c0_i32_0 = arith.constant 0 : i32
    return %arg0, %c0_i32 : i32, i32
  }
  func.func @transform_1(%arg0: i32) -> (i32, i32) {
    %c0_i32 = arith.constant 0 : i32
    %c0_i32_0 = arith.constant 0 : i32
    return %arg0, %c0_i32 : i32, i32
  }
  func.func @transform_2(%arg0: i32) -> (i32, i32) {
    %c0_i32 = arith.constant 0 : i32
    %c0_i32_0 = arith.constant 0 : i32
    return %arg0, %c0_i32 : i32, i32
  }
  func.func @transform_3(%arg0: i32) -> (i32, i32) {
    %c0_i32 = arith.constant 0 : i32
    %c0_i32_0 = arith.constant 0 : i32
    return %arg0, %c0_i32 : i32, i32
  }
  func.func @transform_4(%arg0: i32) -> (i32, i32) {
    %c0_i32 = arith.constant 0 : i32
    %c0_i32_0 = arith.constant 0 : i32
    return %arg0, %c0_i32 : i32, i32
  }
}

</mosaic_0001>

<sc_bundles>
// kernel: kernel.11.cloned.1.call-start
scs
__scs_entry_jumppad:
0x0: {  	(pc) =	sbr.rel $0x88, $3  }
0x1: {  	(tag) =	ssettag $0x0;
	lr =	simm.s32 $0x1  }
0x2: {  	[smem:$0x3F92] =	sst lr;
	_ =	strace $0xD0000000  }
0x3: {  	_ = 	snop  }
0x4: {  	_ = 	snop  }
0x5: {  	_ = 	snop  }
0x6: {  	_ = 	snop  }
0x7: {  	_ = 	snop  }
__scs_overlays_trampoline_lowered:
0x8: {  	[smem:$0x3FA1] =	sst s0  }
0x9: {  	[smem:$0x3FA2] =	sst s1  }
0xa: {  	[smem:$0x3FA3] =	sst s2  }
0xb: {  	[smem:$0x3FA4] =	sst s3  }
0xc: {  	[smem:$0x3FA5] =	sst s4  }
0xd: {  	[smem:$0x3FA6] =	sst s5  }
0xe: {  	[smem:$0x3FA7] =	sst s6  }
0xf: {  	[smem:$0x3FA8] =	sst s7  }
0x10: {  	[smem:$0x3FA9] =	sst s8  }
0x11: {  	[smem:$0x3FAA] =	sst s9;
	s0 =	simm.s32 @!p0 $0x0  }
0x12: {  	s1 =	sld [smem:$0x3F90];
	s0 =	simm.s32 @p0 $0x1  }
0x13: {  	[smem:$0x3FAB] =	sst s0;
	s0 =	simm.s32 @!p1 $0x0  }
0x14: {  	s2 =	sld [smem:$0x3F8F];
	s0 =	simm.s32 @p1 $0x1  }
0x15: {  	[smem:$0x3FAC] =	sst s0;
	s0 =	simm.s32 @!p2 $0x0  }
0x16: {  	s3 =	sld [smem:$0x3FDB];
	s0 =	simm.s32 @p2 $0x1  }
0x17: {  	s4 =	simm.s32 $0x1BF5;
	[smem:$0x3FAE] =	sst s0  }
0x18: {  	s0 =	sld [smem:$0x3F91];
	_ =	swait.ge [sflag:s4], $0x0  }
0x19: {  	s7 =	sld [smem:$0x3F92]  }
0x1a: {  	s8 =	sadd.s32 $0xFFFFE003, lr  }
0x1b: {  	s9 =	sadd.s32 $0xFFFFFEF7, lr;
	s5 =	simm.s32 $0xFFFFFFFF;
	p2 =	slt.u32 s8, $0xFFFFF086  }
0x1c: {  	p1 =	slt.u32 s9, $0xF7A;
	s5 =	simm.s32 @!p2 $0x0  }
0x1d: {  	s5 =	simm.s32 @p1 $0x1;
	p0 =	seq.s32 s7, s2  }
0x1e: {  	s7 =	smul.u32 @!p0 $0xF7A, s2;
	p2 =	seq.s32 @!p0 s5, $0x0  }
0x1f: {  	s9 =	smul.u32 $0xF7A, s1;
	s8 =	simm.s32 @!p0 $0x1BF5;
	p2 =	por !p2, p0  }
0x20: {  	[sflag:s8] =	ssyncset.s32 @!p0 $0xFFFFF086;
	s6 =	sadd.s32 @!p0 s3, s7;
	s7 =	simm.s32 @!p0 $0x108  }
0x21: {  	s3 =	sadd.s32 s3, s9;
	s6 =	sadd.s32 @!p0 $0x88, s6;
	s7 =	simm.s32 @p2 $0x1082  }
0x22: {  	[simem:s7], [sflag:s8] =	dma.local @!p0 [hbm:s6], $0xF7A  }
0x23: {  	s9 =	sor.u32 $0xD0000000, s2;
	s6 =	simm.s32 $0x108;
	_ =	swait.ge @!p0 [sflag:s8], $0x0  }
0x24: {  	s3 =	sadd.s32 $0x88, s3;
	s6 =	simm.s32 @!p1 $0x1082;
	[sflag:s4] =	ssyncset.s32 $0xFFFFF086  }
0x25: {  	[simem:s6], [sflag:s4] =	dma.local [hbm:s3], $0xF7A  }
0x26: {  	[smem:$0x3F92] =	sst s1;
	(tag) =	ssettag s2;
	_ =	strace s9  }
0x27: {  	s1 =	sld [smem:$0x3FA2]  }
0x28: {  	s2 =	sld [smem:$0x3FA3]  }
0x29: {  	s4 =	sld [smem:$0x3FA5]  }
0x2a: {  	p0 =	seq.s32 s5, $0x0;
	s5 =	sld [smem:$0x3FA6]  }
0x2b: {  	s6 =	sld [smem:$0x3FA7]  }
0x2c: {  	s7 =	sld [smem:$0x3FA8]  }
0x2d: {  	s3 =	simm.s32 $0x108;
	s8 =	sld [smem:$0x3FA9]  }
0x2e: {  	s3 =	simm.s32 @!p0 $0x1082;
	s9 =	sld [smem:$0x3FAA]  }
0x2f: {  	lr =	sadd.s32 s0, s3;
	s0 =	sld [smem:$0x3FA1]  }
0x30: {  	s3 =	sld [smem:$0x3FA4]  }
0x31: {  	[smem:$0x3FAD] =	sst s10  }
0x32: {  	s10 =	sld [smem:$0x3FAB];
	_ =	sdelay $0x3  }
0x33: {  	p0 =	seq.s32 s10, $0x1;
	s10 =	sld [smem:$0x3FAD];
	_ =	sdelay $0x3  }
0x34: {  	[smem:$0x3FAD] =	sst s10  }
0x35: {  	s10 =	sld [smem:$0x3FAC];
	_ =	sdelay $0x3  }
0x36: {  	p1 =	seq.s32 s10, $0x1;
	s10 =	sld [smem:$0x3FAD];
	_ =	sdelay $0x3  }
0x37: {  	[smem:$0x3FAD] =	sst s10  }
0x38: {  	s10 =	sld [smem:$0x3FAE]  }
0x39: {  	_ = 	snop;
	(pc) =	sbr.ind lr, $3  }
0x3a: {  	_ = 	snop  }
0x3b: {  	_ = 	snop  }
0x3c: {  	p2 =	seq.s32 s10, $0x1;
	s10 =	sld [smem:$0x3FAD]  }
0x3d: {  	_ =	shalt  }
0x3e: {  	_ =	shalt  }
0x3f: {  	_ =	shalt  }
0x40: {  	_ =	shalt  }
0x41: {  	_ =	shalt  }
0x42: {  	_ =	shalt  }
0x43: {  	_ =	shalt  }
0x44: {  	_ =	shalt  }
0x45: {  	_ =	shalt  }
0x46: {  	_ =	shalt  }
0x47: {  	_ =	shalt  }
0x48: {  	_ =	shalt  }
0x49: {  	_ =	shalt  }
0x4a: {  	_ =	shalt  }
0x4b: {  	_ =	shalt  }
0x4c: {  	_ =	shalt  }
0x4d: {  	_ =	shalt  }
0x4e: {  	_ =	shalt  }
0x4f: {  	_ =	shalt  }
0x50: {  	_ =	shalt  }
0x51: {  	_ =	shalt  }
0x52: {  	_ =	shalt  }
0x53: {  	_ =	shalt  }
0x54: {  	_ =	shalt  }
0x55: {  	_ =	shalt  }
0x56: {  	_ =	shalt  }
0x57: {  	_ =	shalt  }
0x58: {  	_ =	shalt  }
0x59: {  	_ =	shalt  }
0x5a: {  	_ =	shalt  }
0x5b: {  	_ =	shalt  }
0x5c: {  	_ =	shalt  }
0x5d: {  	_ =	shalt  }
0x5e: {  	_ =	shalt  }
0x5f: {  	_ =	shalt  }
0x60: {  	_ =	shalt  }
0x61: {  	_ =	shalt  }
0x62: {  	_ =	shalt  }
0x63: {  	_ =	shalt  }
0x64: {  	_ =	shalt  }
0x65: {  	_ =	shalt  }
0x66: {  	_ =	shalt  }
0x67: {  	_ =	shalt  }
0x68: {  	_ =	shalt  }
0x69: {  	_ =	shalt  }
0x6a: {  	_ =	shalt  }
0x6b: {  	_ =	shalt  }
0x6c: {  	_ =	shalt  }
0x6d: {  	_ =	shalt  }
0x6e: {  	_ =	shalt  }
0x6f: {  	_ =	shalt  }
0x70: {  	_ =	shalt  }
0x71: {  	_ =	shalt  }
0x72: {  	_ =	shalt  }
0x73: {  	_ =	shalt  }
0x74: {  	_ =	shalt  }
0x75: {  	_ =	shalt  }
0x76: {  	_ =	shalt  }
0x77: {  	_ =	shalt  }
0x78: {  	_ =	shalt  }
0x79: {  	_ =	shalt  }
0x7a: {  	_ =	shalt  }
0x7b: {  	_ =	shalt  }
0x7c: {  	_ =	shalt  }
0x7d: {  	_ =	shalt  }
0x7e: {  	_ =	shalt  }
0x7f: {  	_ =	shalt  }
0x80: {  	_ =	shalt  }
0x81: {  	_ =	shalt  }
0x82: {  	_ =	shalt  }
0x83: {  	_ =	shalt  }
0x84: {  	_ =	shalt  }
0x85: {  	_ =	shalt  }
0x86: {  	_ =	shalt  }
0x87: {  	_ =	shalt  }
.Lfunc_end0:
.L_simem_size_0:
called_computation.1_lowered:
.L_overlay_start_0:
0x88: {  	s2 =	sld [smem:$0x3FD9]  }
0x89: {  	s3 =	sld [smem:$0x3FFE];
	_ =	sdelay $0x1  }
0x8a: {  	s1 =	srdreg.scid  }
0x8b: {  	s0 =	sand.u32 $0x1, s1  }
0x8c: {  	s17 =	sshll.u32 s0, $0xA;
	s2 =	sadd.s32 s3, s2  }
0x8d: {  	s2 =	sadd.s32 s2, s17  }
0x8e: {  	[smem:$0x3FB9] =	sst s2  }
0x8f: {  	_ = 	snop  }
0x90: {  	s2 =	sld [smem:$0x3FD0];
	(tm) =	ssettm $0x1  }
0x91: {  	s18 =	sld [smem:$0x3FFB];
	_ =	sdelay $0x3  }
0x92: {  	_ =	strace s18  }
0x93: {  	s3 =	sld [smem:$0x3FFC];
	_ =	sdelay $0x3  }
0x94: {  	_ =	strace s3  }
0x95: {  	s3 =	sld [smem:$0x3FFD];
	_ =	sdelay $0x3  }
0x96: {  	_ =	strace s3  }
0x97: {  	_ =	strace $0x8FFFFFFF  }
0x98: {  	s19 =	sld [smem:$0x3FDB];
	_ =	sdelay $0x1  }
0x99: {  	s4 =	simm.s32 $_scs_section_size  }
0x9a: {  	s5 =	simm.s32 $_size__tile_overlayer_lowered;
	s6 =	simm.s32 $_tile_overlayer_lowered  }
0x9b: {  	s22 =	simm.s32 $0x1BFF;
	s21 =	sshll.u32 s6, $0x1;
	s3 =	sadd.s32 s4, s19  }
0x9c: {  	s7 =	simm.s32 $0x0;
	s20 =	sshll.u32 s5, $0x1;
	s5 =	sadd.s32 s21, s3  }
0x9d: {  	[timem:s7], [sflag:s22] =	dma.local [hbm:s5], s20  }
0x9e: {  	_ =	swait.ge [sflag:s22], s20  }
0x9f: {  	s4 =	ssub.s32 $0x0, s20;
	[sflag:s22] =	ssyncset.done $0x0  }
0xa0: {  	[sflag:s22] =	ssyncadd.s32 s4;
	_ =	sdelay $0x1  }
0xa1: {  	s23 =	simm.s32 $0x1B8B  }
0xa2: {  	_ =	swait.ge [sflag:s23], $0x1  }
0xa3: {  	[sflag:s23] =	ssyncset.done $0x0  }
0xa4: {  	s25 =	simm.s32 $0x1B8E;
	s24 =	sld [smem:$0x3FFE];
	[sflag:s23] =	ssyncadd.s32 $0xFFFFFFFF  }
0xa5: {  	s26 =	simm.s32 $execute0_lowered;
	[smem:$0x3FD2] =	sst s25  }
0xa6: {  	s5 =	sshll.u32 s26, $0x1;
	_ =	strace $0x80000049;
	[dreg:$0x1] =	wrdreg $0xFFFFFFFF  }
0xa7: {  	s28 =	simm.s32 $_size_execute0_lowered;
	s3 =	sadd.s32 s3, s5;
	[dreg:$0x0] =	wrdreg $0x0  }
0xa8: {  	s5 =	sshll.u32 s28, $0x1;
	[dreg:$0x2] =	wrdreg s3  }
0xa9: {  	[dreg:$0x3] =	wrdreg s5  }
0xaa: {  	[dreg:$0x4] =	wrdreg $0xC0  }
0xab: {  	_ =	task [dreg:s7], $0x5FFFF  }
0xac: {  	[dreg:$0x1] =	wrdreg $0xFFFFFFFF  }
0xad: {  	[dreg:$0x0] =	wrdreg $0x60  }
0xae: {  	[dreg:$0x2] =	wrdreg s24  }
0xaf: {  	[dreg:$0x3] =	wrdreg s2  }
0xb0: {  	[dreg:$0x4] =	wrdreg $0x9  }
0xb1: {  	_ =	task.clear_ibuf [dreg:s7], $0x5FFFF;
	_ =	strace $0x90000049  }
0xb2: {  	s29 =	simm.s32 $0x9;
	_ =	strace $0x8000004B  }
0xb3: {  	_ =	swait.ge [sflag:s29], $0x1  }
0xb4: {  	[sflag:s29] =	ssyncadd.s32 $0xFFFFFFFF  }
0xb5: {  	_ =	strace $0x9000004B  }
0xb6: {  	_ =	sfence  }
0xb7: {  	s30 =	sld [smem:$0x0];
	_ =	sdelay $0x2  }
0xb8: {  	s31 =	sshll.u32 s1, $0xD;
	s1 =	sshrl.u32 s1, $0x2  }
0xb9: {  	s3 =	sand.u32 $0x4000, s31;
	s1 =	sadd.s32 s1, s30  }
0xba: {  	s0 =	sor.u32 s3, s0;
	s1 =	sshll.u32 s1, $0x11  }
0xbb: {  	s0 =	sor.u32 s1, s0  }
0xbc: {  	s0 =	sadd.s32 $0x8F2B, s0  }
0xbd: {  	[sflag:s0] =	ssyncadd.remote.s32 $0x1  }
0xbe: {  	_ =	sfence.sel $0xFFFF  }
0xbf: {  	[dreg:$0x0] =	wrdreg $0xFFFFFFFF;
	(pc) =	sbr.abs _section_cstart, $3  }
0xc0: {  	[dreg:$0x1] =	wrdreg $0xFFFFFFFF  }
0xc1: {  	_ =	task.clear_ibuf [dreg:s7], $0x2FFFF;
	_ =	strace $0x9FFFFFFF  }
0xc2: {  	(tm) =	ssettm $0x7FFFFFFF  }
0xc3: {  	_ =	shalt  }
tec
execute0_lowered:
.L_overlay_start_1:
0x0: {  	(tag) =	ssettag $0x1  }
0x1: {  	s2 =	srdreg.scid;
	s1 =	rddreg [dreg:$0x0]  }
0x2: {  	s3 =	rddreg [dreg:$0x1];
	s4 =	sand.u32 $0x1, s2;
	s2 =	simm.s32 $0x0  }
0x3: {  	s20 =	simm.s32 $0x80;
	[smem:$0x7FF] =	sst s2  }
0x4: {  	s21 =	simm.s32 $0x900;
	_ =	strace $0x8000004A;
	[dreg:$0x9] =	wrdreg s20  }
0x5: {  	s0 =	stileid.u32;
	s22 =	simm.s32 $0x1100;
	[dreg:$0xa] =	wrdreg s21  }
0x6: {  	s23 =	simm.s32 $0x1900;
	s24 =	simm.s32 $0x2100;
	[dreg:$0xb] =	wrdreg s22  }
0x7: {  	s25 =	simm.s32 $0x2900;
	s26 =	simm.s32 $0x3100;
	[dreg:$0xc] =	wrdreg s23  }
0x8: {  	s10 =	simm.s32 $0x7100;
	s11 =	simm.s32 $0x7900;
	[dreg:$0xd] =	wrdreg s24  }
0x9: {  	s12 =	simm.s32 $0x8100;
	s13 =	simm.s32 $0x8900;
	[dreg:$0xe] =	wrdreg s25  }
0xa: {  	s16 =	sshll.u32 s0, $0x1;
	s0 =	simm.s32 $0x3900;
	[dreg:$0xf] =	wrdreg s26  }
0xb: {  	s14 =	simm.s32 $0x9100;
	s15 =	simm.s32 $0x9900;
	[dreg:$0x10] =	wrdreg s0  }
0xc: {  	s28 =	simm.s32 $0x16900;
	s29 =	simm.s32 $0x17100;
	[dreg:$0x16] =	wrdreg s10  }
0xd: {  	s30 =	simm.s32 $0x17900;
	s31 =	simm.s32 $0x3;
	[dreg:$0x17] =	wrdreg s11  }
0xe: {  	s9 =	sadd.s32 $0x81C00, s1;
	s5 =	sor.u32 s4, s16;
	[dreg:$0x18] =	wrdreg s12  }
0xf: {  	s4 =	ssub.s32 $0x2, s4;
	s7 =	smul.u32 $0x1800, s5;
	[dreg:$0x19] =	wrdreg s13  }
0x10: {  	s6 =	sshll.u32 s5, $0x4;
	s5 =	smul.u32 $0xC000, s5;
	[dreg:$0x1a] =	wrdreg s14  }
0x11: {  	s16 =	sshrl.u32 s4, $0x1;
	[dreg:$0x1b] =	wrdreg s15;
	s20 =	simm.s32 $0xB900  }
0x12: {  	s21 =	simm.s32 $0xC900;
	s22 =	simm.s32 $0xD100;
	[dreg:$0x1f] =	wrdreg s20  }
0x13: {  	s23 =	simm.s32 $0xD900;
	s24 =	simm.s32 $0xE100;
	[smem:$0x7F8] =	sst s21  }
0x14: {  	s10 =	simm.s32 $0x1;
	s25 =	simm.s32 $0xE900;
	[smem:$0x7F9] =	sst s22  }
0x15: {  	s11 =	simm.s32 $0x2;
	s26 =	simm.s32 $0xF100;
	[smem:$0x7FA] =	sst s23  }
0x16: {  	s12 =	simm.s32 $0xC100;
	s14 =	simm.s32 $0x10100;
	[smem:$0x7FB] =	sst s24  }
0x17: {  	s15 =	simm.s32 $0x10900;
	s6 =	sadd.s32 s6, s1;
	[smem:$0x7FC] =	sst s25  }
0x18: {  	[smem:$0x7FD] =	sst s26;
	s20 =	simm.s32 $0x13100;
	s21 =	simm.s32 $0x13900  }
0x19: {  	s22 =	simm.s32 $0x14100;
	s23 =	simm.s32 $0x14900;
	s8 =	sadd.s32 $0xE1E00, s6  }
0x1a: {  	s24 =	simm.s32 $0x15100;
	s6 =	sadd.s32 $0xE2000, s6;
	[dreg:$0x3] =	wrdreg s8  }
0x1b: {  	s25 =	simm.s32 $0x15900;
	s17 =	sadd.s32 s3, s7;
	[dreg:$0x4] =	wrdreg s6  }
0x1c: {  	s26 =	simm.s32 $0x16100;
	s18 =	sadd.s32 s9, s7;
	[dreg:$0x5] =	wrdreg s17  }
0x1d: {  	s5 =	sshrl.u32 s5, $0x3;
	s7 =	simm.s32 $0x5100;
	[dreg:$0x6] =	wrdreg s18  }
0x1e: {  	s5 =	sadd.s32 $0xC00, s5;
	s6 =	simm.s32 $0x4900;
	[dreg:$0x13] =	wrdreg s7  }
0x1f: {  	s8 =	simm.s32 $0x5900;
	s17 =	simm.s32 $0xA100;
	[dreg:$0x12] =	wrdreg s6  }
0x20: {  	s18 =	simm.s32 $0xA900;
	s7 =	simm.s32 $0x5;
	[dreg:$0x14] =	wrdreg s8  }
0x21: {  	s3 =	sadd.s32 s3, s5;
	s19 =	sadd.s32 s9, s5;
	[dreg:$0x1c] =	wrdreg s17  }
0x22: {  	s5 =	simm.s32 $0x4100;
	s9 =	simm.s32 $0x6900;
	[dreg:$0x1d] =	wrdreg s18  }
0x23: {  	s6 =	ssub.s32 s4, s16;
	s4 =	sadd.s32 $0x9D00, s1;
	[dreg:$0x7] =	wrdreg s3  }
0x24: {  	s8 =	simm.s32 $0x100;
	s16 =	simm.s32 $0x11100;
	[dreg:$0x8] =	wrdreg s19  }
0x25: {  	s17 =	simm.s32 $0x11900;
	s18 =	simm.s32 $0x12100;
	[dreg:$0x11] =	wrdreg s5  }
0x26: {  	v2 =	vlaneseq.u32;
	[dreg:$0x15] =	wrdreg s9;
	s3 =	sadd.s32 $0x9C00, s1;
	s19 =	simm.s32 $0xB100  }
0x27: {  	vm0 =	vmmov $0xffff;
	v1 =	vshrl.u32 v2, $0x3;
	s5 =	sadd.s32 $0x9E00, s1;
	s6 =	smax.u32 s6, $0x1;
	s9 =	simm.s32 $0x6100  }
0x28: {  	v0 =	vand.u32 $0x7, v2;
	v2 =	vor.u32 $0x8, v2;
	v1 =	vmul.u32 $0x8, v1;
	s1 =	simm.s32 $0x4;
	[dreg:$0x1e] =	wrdreg s19;
	s19 =	simm.s32 $0x12900  }
.LBB2_1:
0x29: {  	s0 =	rddreg [dreg:$0x3]  }
0x2a: {  	[tilespmem:s2], [sflag:$0x5] =	stream.linear.gather [hbm4b:s0+s2], $0x80, $0x38;
	[tilespmem:$0x18100] =	vst v63  }
0x2b: {  	_ =	swait.ge [sflag:s7], $0x80  }
0x2c: {  	s0 =	rddreg [dreg:$0x4];
	[sflag:s7] =	ssyncset.done $0x0  }
0x2d: {  	s13 =	rddreg [dreg:$0x9];
	[sflag:s7] =	ssyncadd.s32 $0xFFFFFF80  }
0x2e: {  	[tilespmem:s13], [sflag:$0x5] =	stream.linear.gather [hbm4b:s0+s2], $0x80, $0x38;
	[tilespmem:$0x18100] =	vst v63  }
0x2f: {  	_ =	swait.ge [sflag:s7], $0x80  }
0x30: {  	[sflag:s7] =	ssyncset.done $0x0  }
0x31: {  	[sflag:s7] =	ssyncadd.s32 $0xFFFFFF80  }
0x32: {  	v3 =	vld [tilespmem:$0x0];
	_ =	sdelay $0x4  }
0x33: {  	v4 =	vshrl.u32 v3, $0x3  }
0x34: {  	v4 =	vmul.u32 $0x30, v4  }
0x35: {  	v3 =	vand.u32 $0x7, v3  }
0x36: {  	v3 =	vor.u32 v3, v4  }
0x37: {  	v4 =	vperm.xlane v3, v0;
	_ =	sdelay $0x1  }
0x38: {  	v4 =	vadd.s32 v1, v4;
	_ =	sdelay $0x3  }
0x39: {  	v3 =	vperm.xlane v3, v2  }
0x3a: {  	[tilespmem:s8], [sflag:$0x1] =	stream.indirect_vreg.gather [hbm4b:s3+s2], $0x80, v4, vm0, $0xb8;
	[tilespmem:$0x18100] =	vst v63  }
0x3b: {  	s0 =	rddreg [dreg:$0xa];
	v3 =	vadd.s32 v1, v3  }
0x3c: {  	[tilespmem:s0], [sflag:$0x1] =	stream.indirect_vreg.gather [hbm4b:s4+s2], $0x80, v4, vm0, $0xb8;
	[tilespmem:$0x18100] =	vst v63  }
0x3d: {  	s13 =	rddreg [dreg:$0xb]  }
0x3e: {  	[tilespmem:s13], [sflag:$0x1] =	stream.indirect_vreg.gather [hbm4b:s5+s2], $0x80, v4, vm0, $0xb8;
	[tilespmem:$0x18100] =	vst v63  }
0x3f: {  	s0 =	rddreg [dreg:$0xc]  }
0x40: {  	[tilespmem:s0], [sflag:$0x1] =	stream.indirect_vreg.gather [hbm4b:s3+s2], $0x80, v3, vm0, $0xb8;
	[tilespmem:$0x18100] =	vst v63  }
0x41: {  	s13 =	rddreg [dreg:$0xd]  }
0x42: {  	[tilespmem:s13], [sflag:$0x1] =	stream.indirect_vreg.gather [hbm4b:s4+s2], $0x80, v3, vm0, $0xb8;
	[tilespmem:$0x18100] =	vst v63  }
0x43: {  	s0 =	rddreg [dreg:$0xe]  }
0x44: {  	[tilespmem:s0], [sflag:$0x1] =	stream.indirect_vreg.gather [hbm4b:s5+s2], $0x80, v3, vm0, $0xb8;
	[tilespmem:$0x18100] =	vst v63  }
0x45: {  	v3 =	vld [tilespmem:$0x10];
	_ =	sdelay $0x4  }
0x46: {  	v57 =	vshrl.u32 v3, $0x3  }
0x47: {  	v4 =	vmul.u32 $0x30, v57  }
0x48: {  	v3 =	vand.u32 $0x7, v3  }
0x49: {  	v3 =	vor.u32 v3, v4  }
0x4a: {  	v4 =	vperm.xlane v3, v0;
	_ =	sdelay $0x1  }
0x4b: {  	v4 =	vadd.s32 v1, v4;
	_ =	sdelay $0x3  }
0x4c: {  	s0 =	rddreg [dreg:$0xf];
	v3 =	vperm.xlane v3, v2  }
0x4d: {  	[tilespmem:s0], [sflag:$0x1] =	stream.indirect_vreg.gather [hbm4b:s3+s2], $0x80, v4, vm0, $0xb8;
	[tilespmem:$0x18100] =	vst v63  }
0x4e: {  	s13 =	rddreg [dreg:$0x10];
	v3 =	vadd.s32 v1, v3  }
0x4f: {  	[tilespmem:s13], [sflag:$0x1] =	stream.indirect_vreg.gather [hbm4b:s4+s2], $0x80, v4, vm0, $0xb8;
	[tilespmem:$0x18100] =	vst v63  }
0x50: {  	s0 =	rddreg [dreg:$0x11]  }
0x51: {  	[tilespmem:s0], [sflag:$0x1] =	stream.indirect_vreg.gather [hbm4b:s5+s2], $0x80, v4, vm0, $0xb8;
	[tilespmem:$0x18100] =	vst v63  }
0x52: {  	s13 =	rddreg [dreg:$0x12]  }
0x53: {  	[tilespmem:s13], [sflag:$0x1] =	stream.indirect_vreg.gather [hbm4b:s3+s2], $0x80, v3, vm0, $0xb8;
	[tilespmem:$0x18100] =	vst v63  }
0x54: {  	s0 =	rddreg [dreg:$0x13]  }
0x55: {  	[tilespmem:s0], [sflag:$0x1] =	stream.indirect_vreg.gather [hbm4b:s4+s2], $0x80, v3, vm0, $0xb8;
	[tilespmem:$0x18100] =	vst v63  }
0x56: {  	s13 =	rddreg [dreg:$0x14]  }
0x57: {  	[tilespmem:s13], [sflag:$0x1] =	stream.indirect_vreg.gather [hbm4b:s5+s2], $0x80, v3, vm0, $0xb8;
	[tilespmem:$0x18100] =	vst v63  }
0x58: {  	v3 =	vld [tilespmem:$0x80];
	_ =	sdelay $0x4  }
0x59: {  	v58 =	vshrl.u32 v3, $0x3  }
0x5a: {  	v4 =	vmul.u32 $0x30, v58  }
0x5b: {  	v3 =	vand.u32 $0x7, v3  }
0x5c: {  	v3 =	vor.u32 v3, v4  }
0x5d: {  	v4 =	vperm.xlane v3, v0;
	_ =	sdelay $0x1  }
0x5e: {  	v4 =	vadd.s32 v1, v4;
	_ =	sdelay $0x3  }
0x5f: {  	v3 =	vperm.xlane v3, v2  }
0x60: {  	[tilespmem:s9], [sflag:$0x2] =	stream.indirect_vreg.gather [hbm4b:s3+s2], $0x80, v4, vm0, $0xb8;
	[tilespmem:$0x18100] =	vst v63  }
0x61: {  	s0 =	rddreg [dreg:$0x15];
	v3 =	vadd.s32 v1, v3  }
0x62: {  	[tilespmem:s0], [sflag:$0x2] =	stream.indirect_vreg.gather [hbm4b:s4+s2], $0x80, v4, vm0, $0xb8;
	[tilespmem:$0x18100] =	vst v63  }
0x63: {  	s13 =	rddreg [dreg:$0x16]  }
0x64: {  	[tilespmem:s13], [sflag:$0x2] =	stream.indirect_vreg.gather [hbm4b:s5+s2], $0x80, v4, vm0, $0xb8;
	[tilespmem:$0x18100] =	vst v63  }
0x65: {  	s0 =	rddreg [dreg:$0x17]  }
0x66: {  	[tilespmem:s0], [sflag:$0x2] =	stream.indirect_vreg.gather [hbm4b:s3+s2], $0x80, v3, vm0, $0xb8;
	[tilespmem:$0x18100] =	vst v63  }
0x67: {  	s13 =	rddreg [dreg:$0x18]  }
0x68: {  	[tilespmem:s13], [sflag:$0x2] =	stream.indirect_vreg.gather [hbm4b:s4+s2], $0x80, v3, vm0, $0xb8;
	[tilespmem:$0x18100] =	vst v63  }
0x69: {  	s0 =	rddreg [dreg:$0x19]  }
0x6a: {  	[tilespmem:s0], [sflag:$0x2] =	stream.indirect_vreg.gather [hbm4b:s5+s2], $0x80, v3, vm0, $0xb8;
	[tilespmem:$0x18100] =	vst v63  }
0x6b: {  	v3 =	vld [tilespmem:$0x90];
	_ =	sdelay $0x4  }
0x6c: {  	v59 =	vshrl.u32 v3, $0x3  }
0x6d: {  	v4 =	vmul.u32 $0x30, v59  }
0x6e: {  	v3 =	vand.u32 $0x7, v3  }
0x6f: {  	v3 =	vor.u32 v3, v4  }
0x70: {  	v4 =	vperm.xlane v3, v0;
	_ =	sdelay $0x1  }
0x71: {  	v4 =	vadd.s32 v1, v4;
	_ =	sdelay $0x3  }
0x72: {  	s0 =	rddreg [dreg:$0x1a];
	v3 =	vperm.xlane v3, v2  }
0x73: {  	[tilespmem:s0], [sflag:$0x2] =	stream.indirect_vreg.gather [hbm4b:s3+s2], $0x80, v4, vm0, $0xb8;
	[tilespmem:$0x18100] =	vst v63  }
0x74: {  	s13 =	rddreg [dreg:$0x1b];
	v3 =	vadd.s32 v1, v3  }
0x75: {  	[tilespmem:s13], [sflag:$0x2] =	stream.indirect_vreg.gather [hbm4b:s4+s2], $0x80, v4, vm0, $0xb8;
	[tilespmem:$0x18100] =	vst v63  }
0x76: {  	s0 =	rddreg [dreg:$0x1c]  }
0x77: {  	[tilespmem:s0], [sflag:$0x2] =	stream.indirect_vreg.gather [hbm4b:s5+s2], $0x80, v4, vm0, $0xb8;
	[tilespmem:$0x18100] =	vst v63  }
0x78: {  	s13 =	rddreg [dreg:$0x1d]  }
0x79: {  	[tilespmem:s13], [sflag:$0x2] =	stream.indirect_vreg.gather [hbm4b:s3+s2], $0x80, v3, vm0, $0xb8;
	[tilespmem:$0x18100] =	vst v63  }
0x7a: {  	s0 =	rddreg [dreg:$0x1e]  }
0x7b: {  	[tilespmem:s0], [sflag:$0x2] =	stream.indirect_vreg.gather [hbm4b:s4+s2], $0x80, v3, vm0, $0xb8;
	[tilespmem:$0x18100] =	vst v63  }
0x7c: {  	s13 =	rddreg [dreg:$0x1f]  }
0x7d: {  	[tilespmem:s13], [sflag:$0x2] =	stream.indirect_vreg.gather [hbm4b:s5+s2], $0x80, v3, vm0, $0xb8;
	[tilespmem:$0x18100] =	vst v63  }
0x7e: {  	_ =	swait.ge [sflag:s10], $0x6000  }
0x7f: {  	[sflag:s10] =	ssyncset.done $0x0  }
0x80: {  	[sflag:s10] =	ssyncadd.s32 $0xFFFFA000  }
0x81: {  	_ =	swait.ge [sflag:s11], $0x6000  }
0x82: {  	[sflag:s11] =	ssyncset.done $0x0  }
0x83: {  	s0 =	rddreg [dreg:$0x5];
	[sflag:s11] =	ssyncadd.s32 $0xFFFFA000  }
0x84: {  	[hbm4b:s0+s2] =	stream.linear.scatter [tilespmem:s8], [sflag:$0x3], $0x6000, $0x38;
	[tilespmem:$0x18100] =	vst v63  }
0x85: {  	s13 =	rddreg [dreg:$0x6]  }
0x86: {  	[hbm4b:s13+s2] =	stream.linear.scatter [tilespmem:s9], [sflag:$0x4], $0x6000, $0x38;
	[tilespmem:$0x18100] =	vst v63  }
0x87: {  	v3 =	vld [tilespmem:$0x20];
	_ =	sdelay $0x4  }
0x88: {  	v60 =	vshrl.u32 v3, $0x3  }
0x89: {  	v4 =	vmul.u32 $0x30, v60  }
0x8a: {  	v3 =	vand.u32 $0x7, v3  }
0x8b: {  	v3 =	vor.u32 v3, v4  }
0x8c: {  	v4 =	vperm.xlane v3, v0;
	_ =	sdelay $0x1  }
0x8d: {  	v4 =	vadd.s32 v1, v4;
	_ =	sdelay $0x3  }
0x8e: {  	s0 =	sld [smem:$0x7F8];
	v3 =	vperm.xlane v3, v2  }
0x8f: {  	[tilespmem:s12], [sflag:$0x1] =	stream.indirect_vreg.gather [hbm4b:s3+s2], $0x80, v4, vm0, $0xb8;
	[tilespmem:$0x18100] =	vst v63  }
0x90: {  	s13 =	sld [smem:$0x7F9];
	v3 =	vadd.s32 v1, v3  }
0x91: {  	[tilespmem:s0], [sflag:$0x1] =	stream.indirect_vreg.gather [hbm4b:s4+s2], $0x80, v4, vm0, $0xb8;
	[tilespmem:$0x18100] =	vst v63  }
0x92: {  	s0 =	sld [smem:$0x7FA]  }
0x93: {  	[tilespmem:s13], [sflag:$0x1] =	stream.indirect_vreg.gather [hbm4b:s5+s2], $0x80, v4, vm0, $0xb8;
	[tilespmem:$0x18100] =	vst v63  }
0x94: {  	s13 =	sld [smem:$0x7FB]  }
0x95: {  	[tilespmem:s0], [sflag:$0x1] =	stream.indirect_vreg.gather [hbm4b:s3+s2], $0x80, v3, vm0, $0xb8;
	[tilespmem:$0x18100] =	vst v63  }
0x96: {  	s0 =	sld [smem:$0x7FC]  }
0x97: {  	[tilespmem:s13], [sflag:$0x1] =	stream.indirect_vreg.gather [hbm4b:s4+s2], $0x80, v3, vm0, $0xb8;
	[tilespmem:$0x18100] =	vst v63  }
0x98: {  	_ = 	snop  }
0x99: {  	[tilespmem:s0], [sflag:$0x1] =	stream.indirect_vreg.gather [hbm4b:s5+s2], $0x80, v3, vm0, $0xb8;
	[tilespmem:$0x18100] =	vst v63  }
0x9a: {  	v3 =	vld [tilespmem:$0x30];
	_ =	sdelay $0x4  }
0x9b: {  	v61 =	vshrl.u32 v3, $0x3  }
0x9c: {  	v4 =	vmul.u32 $0x30, v61  }
0x9d: {  	v3 =	vand.u32 $0x7, v3  }
0x9e: {  	v3 =	vor.u32 v3, v4  }
0x9f: {  	v4 =	vperm.xlane v3, v0;
	_ =	sdelay $0x1  }
0xa0: {  	v4 =	vadd.s32 v1, v4;
	_ =	sdelay $0x1  }
0xa1: {  	s13 =	sld [smem:$0x7FD];
	_ =	sdelay $0x1  }
0xa2: {  	v3 =	vperm.xlane v3, v2  }
0xa3: {  	[tilespmem:s13], [sflag:$0x1] =	stream.indirect_vreg.gather [hbm4b:s3+s2], $0x80, v4, vm0, $0xb8;
	[tilespmem:$0x18100] =	vst v63  }
0xa4: {  	v3 =	vadd.s32 v1, v3;
	s13 =	simm.s32 $0xF900  }
0xa5: {  	[tilespmem:s13], [sflag:$0x1] =	stream.indirect_vreg.gather [hbm4b:s4+s2], $0x80, v4, vm0, $0xb8;
	[tilespmem:$0x18100] =	vst v63  }
0xa6: {  	_ = 	snop  }
0xa7: {  	[tilespmem:s14], [sflag:$0x1] =	stream.indirect_vreg.gather [hbm4b:s5+s2], $0x80, v4, vm0, $0xb8;
	[tilespmem:$0x18100] =	vst v63  }
0xa8: {  	_ = 	snop  }
0xa9: {  	[tilespmem:s15], [sflag:$0x1] =	stream.indirect_vreg.gather [hbm4b:s3+s2], $0x80, v3, vm0, $0xb8;
	[tilespmem:$0x18100] =	vst v63  }
0xaa: {  	_ = 	snop  }
0xab: {  	[tilespmem:s16], [sflag:$0x1] =	stream.indirect_vreg.gather [hbm4b:s4+s2], $0x80, v3, vm0, $0xb8;
	[tilespmem:$0x18100] =	vst v63  }
0xac: {  	_ = 	snop  }
0xad: {  	[tilespmem:s17], [sflag:$0x1] =	stream.indirect_vreg.gather [hbm4b:s5+s2], $0x80, v3, vm0, $0xb8;
	[tilespmem:$0x18100] =	vst v63  }
0xae: {  	v3 =	vld [tilespmem:$0xA0];
	_ =	sdelay $0x4  }
0xaf: {  	v62 =	vshrl.u32 v3, $0x3  }
0xb0: {  	v4 =	vmul.u32 $0x30, v62  }
0xb1: {  	v3 =	vand.u32 $0x7, v3  }
0xb2: {  	v3 =	vor.u32 v3, v4  }
0xb3: {  	v4 =	vperm.xlane v3, v0;
	_ =	sdelay $0x1  }
0xb4: {  	v4 =	vadd.s32 v1, v4;
	_ =	sdelay $0x3  }
0xb5: {  	v3 =	vperm.xlane v3, v2  }
0xb6: {  	[tilespmem:s18], [sflag:$0x2] =	stream.indirect_vreg.gather [hbm4b:s3+s2], $0x80, v4, vm0, $0xb8;
	[tilespmem:$0x18100] =	vst v63  }
0xb7: {  	v3 =	vadd.s32 v1, v3  }
0xb8: {  	[tilespmem:s19], [sflag:$0x2] =	stream.indirect_vreg.gather [hbm4b:s4+s2], $0x80, v4, vm0, $0xb8;
	[tilespmem:$0x18100] =	vst v63  }
0xb9: {  	_ = 	snop  }
0xba: {  	[tilespmem:s20], [sflag:$0x2] =	stream.indirect_vreg.gather [hbm4b:s5+s2], $0x80, v4, vm0, $0xb8;
	[tilespmem:$0x18100] =	vst v63  }
0xbb: {  	_ = 	snop  }
0xbc: {  	[tilespmem:s21], [sflag:$0x2] =	stream.indirect_vreg.gather [hbm4b:s3+s2], $0x80, v3, vm0, $0xb8;
	[tilespmem:$0x18100] =	vst v63  }
0xbd: {  	_ = 	snop  }
0xbe: {  	[tilespmem:s22], [sflag:$0x2] =	stream.indirect_vreg.gather [hbm4b:s4+s2], $0x80, v3, vm0, $0xb8;
	[tilespmem:$0x18100] =	vst v63  }
0xbf: {  	_ = 	snop  }
0xc0: {  	[tilespmem:s23], [sflag:$0x2] =	stream.indirect_vreg.gather [hbm4b:s5+s2], $0x80, v3, vm0, $0xb8;
	[tilespmem:$0x18100] =	vst v63  }
0xc1: {  	v3 =	vld [tilespmem:$0xB0];
	_ =	sdelay $0x4  }
0xc2: {  	v63 =	vshrl.u32 v3, $0x3  }
0xc3: {  	v4 =	vmul.u32 $0x30, v63  }
0xc4: {  	v3 =	vand.u32 $0x7, v3  }
0xc5: {  	v3 =	vor.u32 v3, v4  }
0xc6: {  	v4 =	vperm.xlane v3, v0;
	_ =	sdelay $0x1  }
0xc7: {  	v4 =	vadd.s32 v1, v4;
	_ =	sdelay $0x3  }
0xc8: {  	v3 =	vperm.xlane v3, v2  }
0xc9: {  	[tilespmem:s24], [sflag:$0x2] =	stream.indirect_vreg.gather [hbm4b:s3+s2], $0x80, v4, vm0, $0xb8;
	[tilespmem:$0x18100] =	vst v63  }
0xca: {  	v3 =	vadd.s32 v1, v3  }
0xcb: {  	[tilespmem:s25], [sflag:$0x2] =	stream.indirect_vreg.gather [hbm4b:s4+s2], $0x80, v4, vm0, $0xb8;
	[tilespmem:$0x18100] =	vst v63  }
0xcc: {  	_ = 	snop  }
0xcd: {  	[tilespmem:s26], [sflag:$0x2] =	stream.indirect_vreg.gather [hbm4b:s5+s2], $0x80, v4, vm0, $0xb8;
	[tilespmem:$0x18100] =	vst v63  }
0xce: {  	_ = 	snop  }
0xcf: {  	[tilespmem:s28], [sflag:$0x2] =	stream.indirect_vreg.gather [hbm4b:s3+s2], $0x80, v3, vm0, $0xb8;
	[tilespmem:$0x18100] =	vst v63  }
0xd0: {  	_ = 	snop  }
0xd1: {  	[tilespmem:s29], [sflag:$0x2] =	stream.indirect_vreg.gather [hbm4b:s4+s2], $0x80, v3, vm0, $0xb8;
	[tilespmem:$0x18100] =	vst v63  }
0xd2: {  	_ = 	snop  }
0xd3: {  	[tilespmem:s30], [sflag:$0x2] =	stream.indirect_vreg.gather [hbm4b:s5+s2], $0x80, v3, vm0, $0xb8;
	[tilespmem:$0x18100] =	vst v63  }
0xd4: {  	_ =	swait.ge [sflag:s10], $0x6000  }
0xd5: {  	[sflag:s10] =	ssyncset.done $0x0  }
0xd6: {  	[sflag:s10] =	ssyncadd.s32 $0xFFFFA000  }
0xd7: {  	_ =	swait.ge [sflag:s11], $0x6000  }
0xd8: {  	[sflag:s11] =	ssyncset.done $0x0  }
0xd9: {  	s0 =	rddreg [dreg:$0x7];
	[sflag:s11] =	ssyncadd.s32 $0xFFFFA000  }
0xda: {  	[hbm4b:s0+s2] =	stream.linear.scatter [tilespmem:s12], [sflag:$0x3], $0x6000, $0x38;
	[tilespmem:$0x18100] =	vst v63  }
0xdb: {  	s13 =	rddreg [dreg:$0x8]  }
0xdc: {  	[hbm4b:s13+s2] =	stream.linear.scatter [tilespmem:s18], [sflag:$0x4], $0x6000, $0x38;
	[tilespmem:$0x18100] =	vst v63  }
0xdd: {  	_ =	swait.ge [sflag:s31], $0x6000  }
0xde: {  	[sflag:s31] =	ssyncset.done $0x0  }
0xdf: {  	[sflag:s31] =	ssyncadd.s32 $0xFFFFA000  }
0xe0: {  	_ =	swait.ge [sflag:s1], $0x6000  }
0xe1: {  	[sflag:s1] =	ssyncset.done $0x0  }
0xe2: {  	[sflag:s1] =	ssyncadd.s32 $0xFFFFA000  }
0xe3: {  	p0 =	sne.s32 s6, $0x1;
	_ =	swait.ge [sflag:s31], $0x6000  }
.Ltmp0:
0xe4: {  	[sflag:s31] =	ssyncset.done $0x0;
	(pc) =	sbr.rel @p0 .LBB2_1-.Ltmp0, $4  }
0xe5: {  	[sflag:s31] =	ssyncadd.s32 $0xFFFFA000  }
0xe6: {  	_ =	swait.ge [sflag:s1], $0x6000  }
0xe7: {  	[sflag:s1] =	ssyncset.done $0x0  }
0xe8: {  	s6 =	sadd.s32 $0xFFFFFFFF, s6;
	[sflag:s1] =	ssyncadd.s32 $0xFFFFA000  }
0xe9: {  	_ =	sfence.sel $0x180000  }
0xea: {  	[bflag:$0x0] =	sbarrier.arrive $0xFFFF  }
0xeb: {  	_ =	strace $0x9000004A  }
0xec: {  	s0 =	stileid.u32;
	[bflag:$0x2] =	sbarrier.arrive $0xFFFF  }
0xed: {  	p0 =	sne.s32 s0, $0x0;
	s0 =	rddreg [dreg:$0x2]  }
0xee: {  	s0 =	sadd.s32 @!p0 $0x100000, s0  }
0xef: {  	[sflag:s0] =	ssyncadd.tile.s32 @!p0 $0x1;
	_ =	shalt  }
.Lfunc_end2:
_tile_overlayer_lowered:
.L_overlay_start_2:
0xf0: {  	(tag) =	ssettag $0x2  }
0xf1: {  	s0 =	rddreg [dreg:$0x0];
	s2 =	stileid.u32  }
0xf2: {  	s1 =	rddreg [dreg:$0x1];
	p0 =	sne.s32 s2, $0x0  }
0xf3: {  	s3 =	rddreg [dreg:$0x2];
	[bflag:$0x3] =	sbarrier.arrive $0xFFFF;
	s2 =	simm.s32 @!p0 $0x1C05  }
0xf4: {  	[timem:s3], [sflag:s2] =	dma.local @!p0 [hbm:s0], s1  }
0xf5: {  	s0 =	simm.s32 @!p0 $0x5  }
0xf6: {  	_ =	swait.ge @!p0 [sflag:s0], s1  }
0xf7: {  	s1 =	ssub.s32 @!p0 $0x0, s1;
	[sflag:s0] =	ssyncset.done @!p0 $0x0  }
0xf8: {  	[sflag:s0] =	ssyncadd.s32 @!p0 s1  }
0xf9: {  	[bflag:$0x3] =	sbarrier.arrive $0xFFFF  }
0xfa: {  	_ =	shalt  }

// kernel: kernel.8.cloned.1.call-start
scs
__scs_entry_jumppad:
0x0: {  	(pc) =	sbr.rel $0x88, $3  }
0x1: {  	(tag) =	ssettag $0x0;
	lr =	simm.s32 $0x1  }
0x2: {  	[smem:$0x3F92] =	sst lr;
	_ =	strace $0xD0000000  }
0x3: {  	_ = 	snop  }
0x4: {  	_ = 	snop  }
0x5: {  	_ = 	snop  }
0x6: {  	_ = 	snop  }
0x7: {  	_ = 	snop  }
__scs_overlays_trampoline_lowered:
0x8: {  	[smem:$0x3FA1] =	sst s0  }
0x9: {  	[smem:$0x3FA2] =	sst s1  }
0xa: {  	[smem:$0x3FA3] =	sst s2  }
0xb: {  	[smem:$0x3FA4] =	sst s3  }
0xc: {  	[smem:$0x3FA5] =	sst s4  }
0xd: {  	[smem:$0x3FA6] =	sst s5  }
0xe: {  	[smem:$0x3FA7] =	sst s6  }
0xf: {  	[smem:$0x3FA8] =	sst s7  }
0x10: {  	[smem:$0x3FA9] =	sst s8  }
0x11: {  	[smem:$0x3FAA] =	sst s9;
	s0 =	simm.s32 @!p0 $0x0  }
0x12: {  	s1 =	sld [smem:$0x3F90];
	s0 =	simm.s32 @p0 $0x1  }
0x13: {  	[smem:$0x3FAB] =	sst s0;
	s0 =	simm.s32 @!p1 $0x0  }
0x14: {  	s2 =	sld [smem:$0x3F8F];
	s0 =	simm.s32 @p1 $0x1  }
0x15: {  	[smem:$0x3FAC] =	sst s0;
	s0 =	simm.s32 @!p2 $0x0  }
0x16: {  	s3 =	sld [smem:$0x3FDB];
	s0 =	simm.s32 @p2 $0x1  }
0x17: {  	s4 =	simm.s32 $0x1BF5;
	[smem:$0x3FAE] =	sst s0  }
0x18: {  	s0 =	sld [smem:$0x3F91];
	_ =	swait.ge [sflag:s4], $0x0  }
0x19: {  	s7 =	sld [smem:$0x3F92]  }
0x1a: {  	s8 =	sadd.s32 $0xFFFFE003, lr  }
0x1b: {  	s9 =	sadd.s32 $0xFFFFFEF7, lr;
	s5 =	simm.s32 $0xFFFFFFFF;
	p2 =	slt.u32 s8, $0xFFFFF086  }
0x1c: {  	p1 =	slt.u32 s9, $0xF7A;
	s5 =	simm.s32 @!p2 $0x0  }
0x1d: {  	s5 =	simm.s32 @p1 $0x1;
	p0 =	seq.s32 s7, s2  }
0x1e: {  	s7 =	smul.u32 @!p0 $0xF7A, s2;
	p2 =	seq.s32 @!p0 s5, $0x0  }
0x1f: {  	s9 =	smul.u32 $0xF7A, s1;
	s8 =	simm.s32 @!p0 $0x1BF5;
	p2 =	por !p2, p0  }
0x20: {  	[sflag:s8] =	ssyncset.s32 @!p0 $0xFFFFF086;
	s6 =	sadd.s32 @!p0 s3, s7;
	s7 =	simm.s32 @!p0 $0x108  }
0x21: {  	s3 =	sadd.s32 s3, s9;
	s6 =	sadd.s32 @!p0 $0x88, s6;
	s7 =	simm.s32 @p2 $0x1082  }
0x22: {  	[simem:s7], [sflag:s8] =	dma.local @!p0 [hbm:s6], $0xF7A  }
0x23: {  	s9 =	sor.u32 $0xD0000000, s2;
	s6 =	simm.s32 $0x108;
	_ =	swait.ge @!p0 [sflag:s8], $0x0  }
0x24: {  	s3 =	sadd.s32 $0x88, s3;
	s6 =	simm.s32 @!p1 $0x1082;
	[sflag:s4] =	ssyncset.s32 $0xFFFFF086  }
0x25: {  	[simem:s6], [sflag:s4] =	dma.local [hbm:s3], $0xF7A  }
0x26: {  	[smem:$0x3F92] =	sst s1;
	(tag) =	ssettag s2;
	_ =	strace s9  }
0x27: {  	s1 =	sld [smem:$0x3FA2]  }
0x28: {  	s2 =	sld [smem:$0x3FA3]  }
0x29: {  	s4 =	sld [smem:$0x3FA5]  }
0x2a: {  	p0 =	seq.s32 s5, $0x0;
	s5 =	sld [smem:$0x3FA6]  }
0x2b: {  	s6 =	sld [smem:$0x3FA7]  }
0x2c: {  	s7 =	sld [smem:$0x3FA8]  }
0x2d: {  	s3 =	simm.s32 $0x108;
	s8 =	sld [smem:$0x3FA9]  }
0x2e: {  	s3 =	simm.s32 @!p0 $0x1082;
	s9 =	sld [smem:$0x3FAA]  }
0x2f: {  	lr =	sadd.s32 s0, s3;
	s0 =	sld [smem:$0x3FA1]  }
0x30: {  	s3 =	sld [smem:$0x3FA4]  }
0x31: {  	[smem:$0x3FAD] =	sst s10  }
0x32: {  	s10 =	sld [smem:$0x3FAB];
	_ =	sdelay $0x3  }
0x33: {  	p0 =	seq.s32 s10, $0x1;
	s10 =	sld [smem:$0x3FAD];
	_ =	sdelay $0x3  }
0x34: {  	[smem:$0x3FAD] =	sst s10  }
0x35: {  	s10 =	sld [smem:$0x3FAC];
	_ =	sdelay $0x3  }
0x36: {  	p1 =	seq.s32 s10, $0x1;
	s10 =	sld [smem:$0x3FAD];
	_ =	sdelay $0x3  }
0x37: {  	[smem:$0x3FAD] =	sst s10  }
0x38: {  	s10 =	sld [smem:$0x3FAE]  }
0x39: {  	_ = 	snop;
	(pc) =	sbr.ind lr, $3  }
0x3a: {  	_ = 	snop  }
0x3b: {  	_ = 	snop  }
0x3c: {  	p2 =	seq.s32 s10, $0x1;
	s10 =	sld [smem:$0x3FAD]  }
0x3d: {  	_ =	shalt  }
0x3e: {  	_ =	shalt  }
0x3f: {  	_ =	shalt  }
0x40: {  	_ =	shalt  }
0x41: {  	_ =	shalt  }
0x42: {  	_ =	shalt  }
0x43: {  	_ =	shalt  }
0x44: {  	_ =	shalt  }
0x45: {  	_ =	shalt  }
0x46: {  	_ =	shalt  }
0x47: {  	_ =	shalt  }
0x48: {  	_ =	shalt  }
0x49: {  	_ =	shalt  }
0x4a: {  	_ =	shalt  }
0x4b: {  	_ =	shalt  }
0x4c: {  	_ =	shalt  }
0x4d: {  	_ =	shalt  }
0x4e: {  	_ =	shalt  }
0x4f: {  	_ =	shalt  }
0x50: {  	_ =	shalt  }
0x51: {  	_ =	shalt  }
0x52: {  	_ =	shalt  }
0x53: {  	_ =	shalt  }
0x54: {  	_ =	shalt  }
0x55: {  	_ =	shalt  }
0x56: {  	_ =	shalt  }
0x57: {  	_ =	shalt  }
0x58: {  	_ =	shalt  }
0x59: {  	_ =	shalt  }
0x5a: {  	_ =	shalt  }
0x5b: {  	_ =	shalt  }
0x5c: {  	_ =	shalt  }
0x5d: {  	_ =	shalt  }
0x5e: {  	_ =	shalt  }
0x5f: {  	_ =	shalt  }
0x60: {  	_ =	shalt  }
0x61: {  	_ =	shalt  }
0x62: {  	_ =	shalt  }
0x63: {  	_ =	shalt  }
0x64: {  	_ =	shalt  }
0x65: {  	_ =	shalt  }
0x66: {  	_ =	shalt  }
0x67: {  	_ =	shalt  }
0x68: {  	_ =	shalt  }
0x69: {  	_ =	shalt  }
0x6a: {  	_ =	shalt  }
0x6b: {  	_ =	shalt  }
0x6c: {  	_ =	shalt  }
0x6d: {  	_ =	shalt  }
0x6e: {  	_ =	shalt  }
0x6f: {  	_ =	shalt  }
0x70: {  	_ =	shalt  }
0x71: {  	_ =	shalt  }
0x72: {  	_ =	shalt  }
0x73: {  	_ =	shalt  }
0x74: {  	_ =	shalt  }
0x75: {  	_ =	shalt  }
0x76: {  	_ =	shalt  }
0x77: {  	_ =	shalt  }
0x78: {  	_ =	shalt  }
0x79: {  	_ =	shalt  }
0x7a: {  	_ =	shalt  }
0x7b: {  	_ =	shalt  }
0x7c: {  	_ =	shalt  }
0x7d: {  	_ =	shalt  }
0x7e: {  	_ =	shalt  }
0x7f: {  	_ =	shalt  }
0x80: {  	_ =	shalt  }
0x81: {  	_ =	shalt  }
0x82: {  	_ =	shalt  }
0x83: {  	_ =	shalt  }
0x84: {  	_ =	shalt  }
0x85: {  	_ =	shalt  }
0x86: {  	_ =	shalt  }
0x87: {  	_ =	shalt  }
.Lfunc_end0:
.L_simem_size_0:
called_computation_lowered:
.L_overlay_start_0:
0x88: {  	s2 =	sld [smem:$0x3FD9]  }
0x89: {  	s3 =	sld [smem:$0x3FFE];
	_ =	sdelay $0x1  }
0x8a: {  	s1 =	srdreg.scid  }
0x8b: {  	s0 =	sand.u32 $0x1, s1  }
0x8c: {  	s17 =	sshll.u32 s0, $0xA;
	s2 =	sadd.s32 s3, s2  }
0x8d: {  	s2 =	sadd.s32 s2, s17  }
0x8e: {  	[smem:$0x3FB9] =	sst s2  }
0x8f: {  	_ = 	snop  }
0x90: {  	s2 =	sld [smem:$0x3FC9]  }
0x91: {  	s18 =	sld [smem:$0x3FD0];
	(tm) =	ssettm $0x1  }
0x92: {  	s4 =	sld [smem:$0x3FFB];
	_ =	sdelay $0x3  }
0x93: {  	_ =	strace s4  }
0x94: {  	s4 =	sld [smem:$0x3FFC];
	_ =	sdelay $0x3  }
0x95: {  	_ =	strace s4  }
0x96: {  	s4 =	sld [smem:$0x3FFD];
	_ =	sdelay $0x3  }
0x97: {  	_ =	strace s4  }
0x98: {  	_ =	strace $0x8FFFFFFF  }
0x99: {  	s19 =	sld [smem:$0x3FDB];
	_ =	sdelay $0x1  }
0x9a: {  	s5 =	simm.s32 $_scs_section_size  }
0x9b: {  	s6 =	simm.s32 $_size__tile_overlayer_lowered;
	s7 =	simm.s32 $_tile_overlayer_lowered  }
0x9c: {  	s22 =	simm.s32 $0x1BFF;
	s21 =	sshll.u32 s7, $0x1;
	s4 =	sadd.s32 s5, s19  }
0x9d: {  	s8 =	simm.s32 $0x0;
	s20 =	sshll.u32 s6, $0x1;
	s6 =	sadd.s32 s21, s4  }
0x9e: {  	[timem:s8], [sflag:s22] =	dma.local [hbm:s6], s20  }
0x9f: {  	_ =	swait.ge [sflag:s22], s20  }
0xa0: {  	s5 =	ssub.s32 $0x0, s20;
	[sflag:s22] =	ssyncset.done $0x0  }
0xa1: {  	[sflag:s22] =	ssyncadd.s32 s5;
	_ =	sdelay $0x1  }
0xa2: {  	s23 =	simm.s32 $0x1B8B  }
0xa3: {  	_ =	swait.ge [sflag:s23], $0x1  }
0xa4: {  	[sflag:s23] =	ssyncset.done $0x0  }
0xa5: {  	s25 =	simm.s32 $0x1B8E;
	s24 =	sld [smem:$0x3FFE];
	[sflag:s23] =	ssyncadd.s32 $0xFFFFFFFF  }
0xa6: {  	s26 =	simm.s32 $execute0_lowered;
	[smem:$0x3FD2] =	sst s25  }
0xa7: {  	s6 =	sshll.u32 s26, $0x1;
	_ =	strace $0x80000046;
	[dreg:$0x1] =	wrdreg $0xFFFFFFFF  }
0xa8: {  	s28 =	simm.s32 $_size_execute0_lowered;
	s4 =	sadd.s32 s4, s6;
	[dreg:$0x0] =	wrdreg $0x0  }
0xa9: {  	s6 =	sshll.u32 s28, $0x1;
	[dreg:$0x2] =	wrdreg s4  }
0xaa: {  	[dreg:$0x3] =	wrdreg s6  }
0xab: {  	[dreg:$0x4] =	wrdreg $0xC0  }
0xac: {  	_ =	task [dreg:s8], $0x5FFFF  }
0xad: {  	[dreg:$0x1] =	wrdreg $0xFFFFFFFF  }
0xae: {  	[dreg:$0x0] =	wrdreg $0x60  }
0xaf: {  	[dreg:$0x2] =	wrdreg s2  }
0xb0: {  	[dreg:$0x3] =	wrdreg s18  }
0xb1: {  	[dreg:$0x4] =	wrdreg s24  }
0xb2: {  	[dreg:$0x5] =	wrdreg $0x9  }
0xb3: {  	_ =	task.clear_ibuf [dreg:s8], $0x6FFFF;
	_ =	strace $0x90000046  }
0xb4: {  	s29 =	simm.s32 $0x9;
	_ =	strace $0x80000048  }
0xb5: {  	_ =	swait.ge [sflag:s29], $0x1  }
0xb6: {  	[sflag:s29] =	ssyncadd.s32 $0xFFFFFFFF  }
0xb7: {  	_ =	strace $0x90000048  }
0xb8: {  	_ =	sfence  }
0xb9: {  	s30 =	sld [smem:$0x0];
	_ =	sdelay $0x2  }
0xba: {  	s31 =	sshll.u32 s1, $0xD;
	s1 =	sshrl.u32 s1, $0x2  }
0xbb: {  	s3 =	sand.u32 $0x4000, s31;
	s1 =	sadd.s32 s1, s30  }
0xbc: {  	s0 =	sor.u32 s3, s0;
	s1 =	sshll.u32 s1, $0x11  }
0xbd: {  	s0 =	sor.u32 s1, s0  }
0xbe: {  	s0 =	sadd.s32 $0x8F2B, s0  }
0xbf: {  	[sflag:s0] =	ssyncadd.remote.s32 $0x1  }
0xc0: {  	_ =	sfence.sel $0xFFFF  }
0xc1: {  	[dreg:$0x0] =	wrdreg $0xFFFFFFFF;
	(pc) =	sbr.abs _section_cstart, $3  }
0xc2: {  	[dreg:$0x1] =	wrdreg $0xFFFFFFFF  }
0xc3: {  	_ =	task.clear_ibuf [dreg:s8], $0x2FFFF;
	_ =	strace $0x9FFFFFFF  }
0xc4: {  	(tm) =	ssettm $0x7FFFFFFF  }
0xc5: {  	_ =	shalt  }
tec
execute0_lowered:
.L_overlay_start_1:
0x0: {  	(tag) =	ssettag $0x1  }
0x1: {  	s0 =	rddreg [dreg:$0x0]  }
0x2: {  	s1 =	rddreg [dreg:$0x1]  }
0x3: {  	s5 =	rddreg [dreg:$0x2];
	s3 =	srdreg.scid  }
0x4: {  	s4 =	stileid.u32;
	s2 =	simm.s32 $0x0;
	s26 =	simm.s32 $0x80  }
0x5: {  	s11 =	simm.s32 $0x3;
	s9 =	simm.s32 $0x100;
	s14 =	simm.s32 $0x1900  }
0x6: {  	s15 =	simm.s32 $0x2100;
	s16 =	simm.s32 $0x2900;
	s17 =	simm.s32 $0x3100  }
0x7: {  	s18 =	simm.s32 $0x3900;
	s19 =	simm.s32 $0x4100;
	s20 =	simm.s32 $0x4900  }
0x8: {  	s21 =	simm.s32 $0x5100;
	s28 =	simm.s32 $0x8100;
	s29 =	simm.s32 $0x8900  }
0x9: {  	s30 =	simm.s32 $0x9100;
	s31 =	simm.s32 $0x9900;
	s8 =	simm.s32 $0xB100  }
0xa: {  	s3 =	sand.u32 $0x1, s3;
	s4 =	sshll.u32 s4, $0x1;
	[smem:$0x7FF] =	sst s2  }
0xb: {  	s10 =	simm.s32 $0xB900;
	s4 =	sor.u32 s3, s4;
	_ =	strace $0x80000047  }
0xc: {  	s22 =	ssub.s32 $0x2, s3;
	s3 =	sadd.s32 $0x9E00, s5;
	[dreg:$0x7] =	wrdreg s26  }
0xd: {  	s26 =	simm.s32 $0x7900;
	s6 =	sshll.u32 s4, $0x4;
	s4 =	smul.u32 $0x1800, s4  }
0xe: {  	s24 =	sshrl.u32 s22, $0x1;
	s7 =	sadd.s32 s6, s5;
	s1 =	sadd.s32 s1, s6  }
0xf: {  	s25 =	ssub.s32 s22, s24;
	s22 =	simm.s32 $0x5900;
	s24 =	simm.s32 $0x6900  }
0x10: {  	[dreg:$0x4] =	wrdreg s1;
	s23 =	sadd.s32 $0x9C00, s7;
	s0 =	sadd.s32 s0, s4  }
0x11: {  	v2 =	vlaneseq.u32;
	s4 =	sadd.s32 $0x9F00, s5;
	s5 =	sadd.s32 $0xA000, s5;
	s6 =	smax.u32 s25, $0x1  }
0x12: {  	vm0 =	vmmov $0xffff;
	v1 =	vshrl.u32 v2, $0x3;
	s7 =	simm.s32 $0x4;
	s25 =	simm.s32 $0x7100;
	[dreg:$0x5] =	wrdreg s23  }
0x13: {  	v0 =	vand.u32 $0x7, v2;
	v2 =	vor.u32 $0x8, v2;
	v1 =	vmul.u32 $0x8, v1;
	s1 =	simm.s32 $0xA900;
	[dreg:$0x6] =	wrdreg s0;
	s23 =	simm.s32 $0x6100  }
.LBB2_1:
0x14: {  	s12 =	rddreg [dreg:$0x4]  }
0x15: {  	[tilespmem:s2], [sflag:$0x4] =	stream.linear.gather [hbm4b:s12+s2], $0x80, $0x38;
	[tilespmem:$0xC100] =	vst v63  }
0x16: {  	_ =	swait.ge [sflag:s7], $0x80  }
0x17: {  	s0 =	rddreg [dreg:$0x5];
	[sflag:s7] =	ssyncset.done $0x0  }
0x18: {  	s13 =	rddreg [dreg:$0x7];
	[sflag:s7] =	ssyncadd.s32 $0xFFFFFF80  }
0x19: {  	[tilespmem:s13], [sflag:$0x4] =	stream.linear.gather [hbm4b:s0+s2], $0x80, $0x38;
	[tilespmem:$0xC100] =	vst v63  }
0x1a: {  	_ =	swait.ge [sflag:s7], $0x80  }
0x1b: {  	[sflag:s7] =	ssyncset.done $0x0  }
0x1c: {  	s0 =	rddreg [dreg:$0x6];
	[sflag:s7] =	ssyncadd.s32 $0xFFFFFF80  }
0x1d: {  	[tilespmem:s9], [sflag:$0x1] =	stream.linear.gather [hbm4b:s0+s2], $0xC000, $0x38;
	[tilespmem:$0xC100] =	vst v63  }
0x1e: {  	s0 =	simm.s32 $0x1  }
0x1f: {  	_ =	swait.ge [sflag:s0], $0xC000  }
0x20: {  	[sflag:s0] =	ssyncset.done $0x0  }
0x21: {  	[sflag:s0] =	ssyncadd.s32 $0xFFFF4000  }
0x22: {  	v3 =	vld [tilespmem:$0x0];
	_ =	sdelay $0x4  }
0x23: {  	v4 =	vshrl.u32 v3, $0x3  }
0x24: {  	v4 =	vmul.u32 $0x30, v4  }
0x25: {  	v3 =	vand.u32 $0x7, v3  }
0x26: {  	v3 =	vor.u32 v3, v4  }
0x27: {  	v4 =	vperm.xlane v3, v0;
	_ =	sdelay $0x1  }
0x28: {  	v4 =	vadd.s32 v1, v4;
	_ =	sdelay $0x3  }
0x29: {  	v3 =	vperm.xlane v3, v2  }
0x2a: {  	[hbm4b:s3+s2] =	stream.indirect_vreg.scatter [tilespmem:s9], [sflag:$0x2], $0x80, v4, vm0, $0xb8;
	[tilespmem:$0xC100] =	vst v63  }
0x2b: {  	s12 =	simm.s32 $0x900;
	v3 =	vadd.s32 v1, v3  }
0x2c: {  	[hbm4b:s4+s2] =	stream.indirect_vreg.scatter [tilespmem:s12], [sflag:$0x2], $0x80, v4, vm0, $0xb8;
	[tilespmem:$0xC100] =	vst v63  }
0x2d: {  	s13 =	simm.s32 $0x1100  }
0x2e: {  	[hbm4b:s5+s2] =	stream.indirect_vreg.scatter [tilespmem:s13], [sflag:$0x2], $0x80, v4, vm0, $0xb8;
	[tilespmem:$0xC100] =	vst v63  }
0x2f: {  	_ = 	snop  }
0x30: {  	[hbm4b:s3+s2] =	stream.indirect_vreg.scatter [tilespmem:s14], [sflag:$0x2], $0x80, v3, vm0, $0xb8;
	[tilespmem:$0xC100] =	vst v63  }
0x31: {  	_ = 	snop  }
0x32: {  	[hbm4b:s4+s2] =	stream.indirect_vreg.scatter [tilespmem:s15], [sflag:$0x2], $0x80, v3, vm0, $0xb8;
	[tilespmem:$0xC100] =	vst v63  }
0x33: {  	_ = 	snop  }
0x34: {  	[hbm4b:s5+s2] =	stream.indirect_vreg.scatter [tilespmem:s16], [sflag:$0x2], $0x80, v3, vm0, $0xb8;
	[tilespmem:$0xC100] =	vst v63  }
0x35: {  	v3 =	vld [tilespmem:$0x10];
	_ =	sdelay $0x4  }
0x36: {  	v57 =	vshrl.u32 v3, $0x3  }
0x37: {  	v4 =	vmul.u32 $0x30, v57  }
0x38: {  	v3 =	vand.u32 $0x7, v3  }
0x39: {  	v3 =	vor.u32 v3, v4  }
0x3a: {  	v4 =	vperm.xlane v3, v0;
	_ =	sdelay $0x1  }
0x3b: {  	v4 =	vadd.s32 v1, v4;
	_ =	sdelay $0x3  }
0x3c: {  	v3 =	vperm.xlane v3, v2  }
0x3d: {  	[hbm4b:s3+s2] =	stream.indirect_vreg.scatter [tilespmem:s17], [sflag:$0x2], $0x80, v4, vm0, $0xb8;
	[tilespmem:$0xC100] =	vst v63  }
0x3e: {  	v3 =	vadd.s32 v1, v3  }
0x3f: {  	[hbm4b:s4+s2] =	stream.indirect_vreg.scatter [tilespmem:s18], [sflag:$0x2], $0x80, v4, vm0, $0xb8;
	[tilespmem:$0xC100] =	vst v63  }
0x40: {  	_ = 	snop  }
0x41: {  	[hbm4b:s5+s2] =	stream.indirect_vreg.scatter [tilespmem:s19], [sflag:$0x2], $0x80, v4, vm0, $0xb8;
	[tilespmem:$0xC100] =	vst v63  }
0x42: {  	_ = 	snop  }
0x43: {  	[hbm4b:s3+s2] =	stream.indirect_vreg.scatter [tilespmem:s20], [sflag:$0x2], $0x80, v3, vm0, $0xb8;
	[tilespmem:$0xC100] =	vst v63  }
0x44: {  	_ = 	snop  }
0x45: {  	[hbm4b:s4+s2] =	stream.indirect_vreg.scatter [tilespmem:s21], [sflag:$0x2], $0x80, v3, vm0, $0xb8;
	[tilespmem:$0xC100] =	vst v63  }
0x46: {  	_ = 	snop  }
0x47: {  	[hbm4b:s5+s2] =	stream.indirect_vreg.scatter [tilespmem:s22], [sflag:$0x2], $0x80, v3, vm0, $0xb8;
	[tilespmem:$0xC100] =	vst v63  }
0x48: {  	v3 =	vld [tilespmem:$0x20];
	_ =	sdelay $0x4  }
0x49: {  	v58 =	vshrl.u32 v3, $0x3  }
0x4a: {  	v4 =	vmul.u32 $0x30, v58  }
0x4b: {  	v3 =	vand.u32 $0x7, v3  }
0x4c: {  	v3 =	vor.u32 v3, v4  }
0x4d: {  	v4 =	vperm.xlane v3, v0;
	_ =	sdelay $0x1  }
0x4e: {  	v4 =	vadd.s32 v1, v4;
	_ =	sdelay $0x3  }
0x4f: {  	v3 =	vperm.xlane v3, v2  }
0x50: {  	[hbm4b:s3+s2] =	stream.indirect_vreg.scatter [tilespmem:s23], [sflag:$0x2], $0x80, v4, vm0, $0xb8;
	[tilespmem:$0xC100] =	vst v63  }
0x51: {  	v3 =	vadd.s32 v1, v3  }
0x52: {  	[hbm4b:s4+s2] =	stream.indirect_vreg.scatter [tilespmem:s24], [sflag:$0x2], $0x80, v4, vm0, $0xb8;
	[tilespmem:$0xC100] =	vst v63  }
0x53: {  	_ = 	snop  }
0x54: {  	[hbm4b:s5+s2] =	stream.indirect_vreg.scatter [tilespmem:s25], [sflag:$0x2], $0x80, v4, vm0, $0xb8;
	[tilespmem:$0xC100] =	vst v63  }
0x55: {  	_ = 	snop  }
0x56: {  	[hbm4b:s3+s2] =	stream.indirect_vreg.scatter [tilespmem:s26], [sflag:$0x2], $0x80, v3, vm0, $0xb8;
	[tilespmem:$0xC100] =	vst v63  }
0x57: {  	_ = 	snop  }
0x58: {  	[hbm4b:s4+s2] =	stream.indirect_vreg.scatter [tilespmem:s28], [sflag:$0x2], $0x80, v3, vm0, $0xb8;
	[tilespmem:$0xC100] =	vst v63  }
0x59: {  	_ = 	snop  }
0x5a: {  	[hbm4b:s5+s2] =	stream.indirect_vreg.scatter [tilespmem:s29], [sflag:$0x2], $0x80, v3, vm0, $0xb8;
	[tilespmem:$0xC100] =	vst v63  }
0x5b: {  	v3 =	vld [tilespmem:$0x30];
	_ =	sdelay $0x4  }
0x5c: {  	v59 =	vshrl.u32 v3, $0x3  }
0x5d: {  	v4 =	vmul.u32 $0x30, v59  }
0x5e: {  	v3 =	vand.u32 $0x7, v3  }
0x5f: {  	v3 =	vor.u32 v3, v4  }
0x60: {  	v4 =	vperm.xlane v3, v0;
	_ =	sdelay $0x1  }
0x61: {  	v4 =	vadd.s32 v1, v4;
	_ =	sdelay $0x3  }
0x62: {  	v3 =	vperm.xlane v3, v2  }
0x63: {  	[hbm4b:s3+s2] =	stream.indirect_vreg.scatter [tilespmem:s30], [sflag:$0x2], $0x80, v4, vm0, $0xb8;
	[tilespmem:$0xC100] =	vst v63  }
0x64: {  	v3 =	vadd.s32 v1, v3  }
0x65: {  	[hbm4b:s4+s2] =	stream.indirect_vreg.scatter [tilespmem:s31], [sflag:$0x2], $0x80, v4, vm0, $0xb8;
	[tilespmem:$0xC100] =	vst v63  }
0x66: {  	s0 =	simm.s32 $0xA100  }
0x67: {  	[hbm4b:s5+s2] =	stream.indirect_vreg.scatter [tilespmem:s0], [sflag:$0x2], $0x80, v4, vm0, $0xb8;
	[tilespmem:$0xC100] =	vst v63  }
0x68: {  	_ = 	snop  }
0x69: {  	[hbm4b:s3+s2] =	stream.indirect_vreg.scatter [tilespmem:s1], [sflag:$0x2], $0x80, v3, vm0, $0xb8;
	[tilespmem:$0xC100] =	vst v63  }
0x6a: {  	_ = 	snop  }
0x6b: {  	[hbm4b:s4+s2] =	stream.indirect_vreg.scatter [tilespmem:s8], [sflag:$0x2], $0x80, v3, vm0, $0xb8;
	[tilespmem:$0xC100] =	vst v63  }
0x6c: {  	_ = 	snop  }
0x6d: {  	[hbm4b:s5+s2] =	stream.indirect_vreg.scatter [tilespmem:s10], [sflag:$0x2], $0x80, v3, vm0, $0xb8;
	[tilespmem:$0xC100] =	vst v63  }
0x6e: {  	v3 =	vld [tilespmem:$0x80];
	_ =	sdelay $0x4  }
0x6f: {  	v60 =	vshrl.u32 v3, $0x3  }
0x70: {  	v4 =	vmul.u32 $0x30, v60  }
0x71: {  	v3 =	vand.u32 $0x7, v3  }
0x72: {  	v3 =	vor.u32 v3, v4  }
0x73: {  	v4 =	vperm.xlane v3, v0;
	_ =	sdelay $0x1  }
0x74: {  	v4 =	vadd.s32 v1, v4;
	_ =	sdelay $0x3  }
0x75: {  	v3 =	vperm.xlane v3, v2  }
0x76: {  	[hbm4b:s3+s2] =	stream.indirect_vreg.scatter [tilespmem:s9], [sflag:$0x3], $0x80, v4, vm0, $0xb8;
	[tilespmem:$0xC100] =	vst v63  }
0x77: {  	v3 =	vadd.s32 v1, v3  }
0x78: {  	[hbm4b:s4+s2] =	stream.indirect_vreg.scatter [tilespmem:s12], [sflag:$0x3], $0x80, v4, vm0, $0xb8;
	[tilespmem:$0xC100] =	vst v63  }
0x79: {  	_ = 	snop  }
0x7a: {  	[hbm4b:s5+s2] =	stream.indirect_vreg.scatter [tilespmem:s13], [sflag:$0x3], $0x80, v4, vm0, $0xb8;
	[tilespmem:$0xC100] =	vst v63  }
0x7b: {  	_ = 	snop  }
0x7c: {  	[hbm4b:s3+s2] =	stream.indirect_vreg.scatter [tilespmem:s14], [sflag:$0x3], $0x80, v3, vm0, $0xb8;
	[tilespmem:$0xC100] =	vst v63  }
0x7d: {  	_ = 	snop  }
0x7e: {  	[hbm4b:s4+s2] =	stream.indirect_vreg.scatter [tilespmem:s15], [sflag:$0x3], $0x80, v3, vm0, $0xb8;
	[tilespmem:$0xC100] =	vst v63  }
0x7f: {  	_ = 	snop  }
0x80: {  	[hbm4b:s5+s2] =	stream.indirect_vreg.scatter [tilespmem:s16], [sflag:$0x3], $0x80, v3, vm0, $0xb8;
	[tilespmem:$0xC100] =	vst v63  }
0x81: {  	v3 =	vld [tilespmem:$0x90];
	_ =	sdelay $0x4  }
0x82: {  	v61 =	vshrl.u32 v3, $0x3  }
0x83: {  	v4 =	vmul.u32 $0x30, v61  }
0x84: {  	v3 =	vand.u32 $0x7, v3  }
0x85: {  	v3 =	vor.u32 v3, v4  }
0x86: {  	v4 =	vperm.xlane v3, v0;
	_ =	sdelay $0x1  }
0x87: {  	v4 =	vadd.s32 v1, v4;
	_ =	sdelay $0x3  }
0x88: {  	v3 =	vperm.xlane v3, v2  }
0x89: {  	[hbm4b:s3+s2] =	stream.indirect_vreg.scatter [tilespmem:s17], [sflag:$0x3], $0x80, v4, vm0, $0xb8;
	[tilespmem:$0xC100] =	vst v63  }
0x8a: {  	v3 =	vadd.s32 v1, v3  }
0x8b: {  	[hbm4b:s4+s2] =	stream.indirect_vreg.scatter [tilespmem:s18], [sflag:$0x3], $0x80, v4, vm0, $0xb8;
	[tilespmem:$0xC100] =	vst v63  }
0x8c: {  	_ = 	snop  }
0x8d: {  	[hbm4b:s5+s2] =	stream.indirect_vreg.scatter [tilespmem:s19], [sflag:$0x3], $0x80, v4, vm0, $0xb8;
	[tilespmem:$0xC100] =	vst v63  }
0x8e: {  	_ = 	snop  }
0x8f: {  	[hbm4b:s3+s2] =	stream.indirect_vreg.scatter [tilespmem:s20], [sflag:$0x3], $0x80, v3, vm0, $0xb8;
	[tilespmem:$0xC100] =	vst v63  }
0x90: {  	_ = 	snop  }
0x91: {  	[hbm4b:s4+s2] =	stream.indirect_vreg.scatter [tilespmem:s21], [sflag:$0x3], $0x80, v3, vm0, $0xb8;
	[tilespmem:$0xC100] =	vst v63  }
0x92: {  	_ = 	snop  }
0x93: {  	[hbm4b:s5+s2] =	stream.indirect_vreg.scatter [tilespmem:s22], [sflag:$0x3], $0x80, v3, vm0, $0xb8;
	[tilespmem:$0xC100] =	vst v63  }
0x94: {  	v3 =	vld [tilespmem:$0xA0];
	_ =	sdelay $0x4  }
0x95: {  	v62 =	vshrl.u32 v3, $0x3  }
0x96: {  	v4 =	vmul.u32 $0x30, v62  }
0x97: {  	v3 =	vand.u32 $0x7, v3  }
0x98: {  	v3 =	vor.u32 v3, v4  }
0x99: {  	v4 =	vperm.xlane v3, v0;
	_ =	sdelay $0x1  }
0x9a: {  	v4 =	vadd.s32 v1, v4;
	_ =	sdelay $0x3  }
0x9b: {  	v3 =	vperm.xlane v3, v2  }
0x9c: {  	[hbm4b:s3+s2] =	stream.indirect_vreg.scatter [tilespmem:s23], [sflag:$0x3], $0x80, v4, vm0, $0xb8;
	[tilespmem:$0xC100] =	vst v63  }
0x9d: {  	v3 =	vadd.s32 v1, v3  }
0x9e: {  	[hbm4b:s4+s2] =	stream.indirect_vreg.scatter [tilespmem:s24], [sflag:$0x3], $0x80, v4, vm0, $0xb8;
	[tilespmem:$0xC100] =	vst v63  }
0x9f: {  	_ = 	snop  }
0xa0: {  	[hbm4b:s5+s2] =	stream.indirect_vreg.scatter [tilespmem:s25], [sflag:$0x3], $0x80, v4, vm0, $0xb8;
	[tilespmem:$0xC100] =	vst v63  }
0xa1: {  	_ = 	snop  }
0xa2: {  	[hbm4b:s3+s2] =	stream.indirect_vreg.scatter [tilespmem:s26], [sflag:$0x3], $0x80, v3, vm0, $0xb8;
	[tilespmem:$0xC100] =	vst v63  }
0xa3: {  	_ = 	snop  }
0xa4: {  	[hbm4b:s4+s2] =	stream.indirect_vreg.scatter [tilespmem:s28], [sflag:$0x3], $0x80, v3, vm0, $0xb8;
	[tilespmem:$0xC100] =	vst v63  }
0xa5: {  	_ = 	snop  }
0xa6: {  	[hbm4b:s5+s2] =	stream.indirect_vreg.scatter [tilespmem:s29], [sflag:$0x3], $0x80, v3, vm0, $0xb8;
	[tilespmem:$0xC100] =	vst v63  }
0xa7: {  	v3 =	vld [tilespmem:$0xB0];
	_ =	sdelay $0x4  }
0xa8: {  	v63 =	vshrl.u32 v3, $0x3  }
0xa9: {  	v4 =	vmul.u32 $0x30, v63  }
0xaa: {  	v3 =	vand.u32 $0x7, v3  }
0xab: {  	v3 =	vor.u32 v3, v4  }
0xac: {  	v4 =	vperm.xlane v3, v0;
	_ =	sdelay $0x1  }
0xad: {  	v4 =	vadd.s32 v1, v4;
	_ =	sdelay $0x3  }
0xae: {  	v3 =	vperm.xlane v3, v2  }
0xaf: {  	[hbm4b:s3+s2] =	stream.indirect_vreg.scatter [tilespmem:s30], [sflag:$0x3], $0x80, v4, vm0, $0xb8;
	[tilespmem:$0xC100] =	vst v63  }
0xb0: {  	v3 =	vadd.s32 v1, v3  }
0xb1: {  	[hbm4b:s4+s2] =	stream.indirect_vreg.scatter [tilespmem:s31], [sflag:$0x3], $0x80, v4, vm0, $0xb8;
	[tilespmem:$0xC100] =	vst v63  }
0xb2: {  	_ = 	snop  }
0xb3: {  	[hbm4b:s5+s2] =	stream.indirect_vreg.scatter [tilespmem:s0], [sflag:$0x3], $0x80, v4, vm0, $0xb8;
	[tilespmem:$0xC100] =	vst v63  }
0xb4: {  	_ = 	snop  }
0xb5: {  	[hbm4b:s3+s2] =	stream.indirect_vreg.scatter [tilespmem:s1], [sflag:$0x3], $0x80, v3, vm0, $0xb8;
	[tilespmem:$0xC100] =	vst v63  }
0xb6: {  	_ = 	snop  }
0xb7: {  	[hbm4b:s4+s2] =	stream.indirect_vreg.scatter [tilespmem:s8], [sflag:$0x3], $0x80, v3, vm0, $0xb8;
	[tilespmem:$0xC100] =	vst v63  }
0xb8: {  	s13 =	simm.s32 $0x2  }
0xb9: {  	[hbm4b:s5+s2] =	stream.indirect_vreg.scatter [tilespmem:s10], [sflag:$0x3], $0x80, v3, vm0, $0xb8;
	[tilespmem:$0xC100] =	vst v63  }
0xba: {  	p0 =	sne.s32 s6, $0x1;
	_ =	swait.ge [sflag:s13], $0xC000  }
.Ltmp0:
0xbb: {  	[sflag:s13] =	ssyncset.done $0x0;
	(pc) =	sbr.rel @p0 .LBB2_1-.Ltmp0, $4  }
0xbc: {  	[sflag:s13] =	ssyncadd.s32 $0xFFFF4000  }
0xbd: {  	_ =	swait.ge [sflag:s11], $0xC000  }
0xbe: {  	[sflag:s11] =	ssyncset.done $0x0  }
0xbf: {  	s6 =	sadd.s32 $0xFFFFFFFF, s6;
	[sflag:s11] =	ssyncadd.s32 $0xFFFF4000  }
0xc0: {  	_ =	sfence.sel $0x180000  }
0xc1: {  	[bflag:$0x0] =	sbarrier.arrive $0xFFFF  }
0xc2: {  	_ =	strace $0x90000047  }
0xc3: {  	s0 =	stileid.u32;
	[bflag:$0x2] =	sbarrier.arrive $0xFFFF  }
0xc4: {  	p0 =	sne.s32 s0, $0x0;
	s0 =	rddreg [dreg:$0x3]  }
0xc5: {  	s0 =	sadd.s32 @!p0 $0x100000, s0  }
0xc6: {  	[sflag:s0] =	ssyncadd.tile.s32 @!p0 $0x1;
	_ =	shalt  }
.Lfunc_end2:
_tile_overlayer_lowered:
.L_overlay_start_2:
0xc7: {  	(tag) =	ssettag $0x2  }
0xc8: {  	s0 =	rddreg [dreg:$0x0];
	s2 =	stileid.u32  }
0xc9: {  	s1 =	rddreg [dreg:$0x1];
	p0 =	sne.s32 s2, $0x0  }
0xca: {  	s3 =	rddreg [dreg:$0x2];
	[bflag:$0x3] =	sbarrier.arrive $0xFFFF;
	s2 =	simm.s32 @!p0 $0x1C04  }
0xcb: {  	[timem:s3], [sflag:s2] =	dma.local @!p0 [hbm:s0], s1  }
0xcc: {  	s0 =	simm.s32 @!p0 $0x4  }
0xcd: {  	_ =	swait.ge @!p0 [sflag:s0], s1  }
0xce: {  	s1 =	ssub.s32 @!p0 $0x0, s1;
	[sflag:s0] =	ssyncset.done @!p0 $0x0  }
0xcf: {  	[sflag:s0] =	ssyncadd.s32 @!p0 s1  }
0xd0: {  	[bflag:$0x3] =	sbarrier.arrive $0xFFFF  }
0xd1: {  	_ =	shalt  }

</sc_bundles>
